<compile_context>
chip_gen: v7x
topology: tpu7x:2x2x1
jax: 0.10.2.dev20260603
libtpu: 0.0.44.dev20260713+nightly
codegen_flags: <defaults>
</compile_context>

<pallas_src>
import jax
import jax.numpy as jnp
from jax import lax
from jax.experimental import pallas as pl
from jax.experimental.pallas import tpu as pltpu
from jax.experimental.pallas import tpu_sc as plsc

D = 128

NC = 2
NS = 16
NW = NC * NS

CHUNK = 64
NPAD = 10240
ROWS_PER_TILE = NPAD // NS
CW = 8

SPLIT_A = 200
SPLIT_B = 114
MAXSPLIT = max(SPLIT_A, SPLIT_B)


def _sc_body(feats_hbm, src_hbm, dst_hbm, zrow_hbm, zcnt_hbm, ones_hbm,
             sums_out, cnts_out,
             sidx_v, didx_v, rows0_v, rows1_v, ones_v, cstage_v,
             acc_sh, cnt_sh,
             sem_g0, sem_g1, sem_s0, sem_s1, sem_c0, sem_c1):
  c = lax.axis_index("c")
  s = lax.axis_index("s")

  start = lax.select(c == 0, s * SPLIT_A, NS * SPLIT_A + s * SPLIT_B)
  n_half = lax.select(c == 0, SPLIT_A // 2, SPLIT_B // 2)

  row0 = s * ROWS_PER_TILE

  nz = ROWS_PER_TILE // CHUNK
  pltpu.sync_copy(zrow_hbm, rows0_v)
  pltpu.sync_copy(zcnt_hbm, cstage_v)
  for k in range(nz):
    pltpu.async_copy(rows0_v, acc_sh.at[pl.ds(row0 + k * CHUNK, CHUNK)],
                     sem_s0)
    pltpu.async_copy(cstage_v, cnt_sh.at[pl.ds(row0 + k * CHUNK, CHUNK)],
                     sem_s1)
  pltpu.async_copy(src_hbm.at[pl.ds(start, MAXSPLIT)], sidx_v, sem_g0)
  pltpu.async_copy(dst_hbm.at[pl.ds(start, MAXSPLIT)], didx_v, sem_g1)
  pltpu.async_copy(ones_hbm, ones_v, sem_c0)
  for k in range(nz):
    pltpu.make_async_copy(
        rows0_v, acc_sh.at[pl.ds(row0 + k * CHUNK, CHUNK)], sem_s0).wait()
    pltpu.make_async_copy(
        cstage_v, cnt_sh.at[pl.ds(row0 + k * CHUNK, CHUNK)], sem_s1).wait()
  pltpu.make_async_copy(
      src_hbm.at[pl.ds(start, MAXSPLIT)], sidx_v, sem_g0).wait()
  pltpu.make_async_copy(
      dst_hbm.at[pl.ds(start, MAXSPLIT)], didx_v, sem_g1).wait()
  pltpu.make_async_copy(ones_hbm, ones_v, sem_c0).wait()
  plsc.subcore_barrier()

  H = CHUNK // 2

  def gather(j, rows_v, sem):
    pltpu.async_copy(feats_hbm.at[sidx_v.at[j, pl.ds(0, H)]],
                     rows_v.at[pl.ds(0, H)], sem)
    pltpu.async_copy(feats_hbm.at[sidx_v.at[j, pl.ds(H, H)]],
                     rows_v.at[pl.ds(H, H)], sem)

  def gather_wait(j, rows_v, sem):
    pltpu.make_async_copy(feats_hbm.at[sidx_v.at[j, pl.ds(0, H)]],
                          rows_v.at[pl.ds(0, H)], sem).wait()
    pltpu.make_async_copy(feats_hbm.at[sidx_v.at[j, pl.ds(H, H)]],
                          rows_v.at[pl.ds(H, H)], sem).wait()

  def scatter(j, rows_v, sem):
    return pltpu.async_copy(rows_v, acc_sh.at[didx_v.at[j]], sem, add=True)

  def counts(j, sem):
    return pltpu.async_copy(ones_v, cnt_sh.at[didx_v.at[j]], sem, add=True)

  gather(0, rows0_v, sem_g0)

  def body(i, carry):
    j0 = 2 * i
    j1 = j0 + 1
    gather_wait(j0, rows0_v, sem_g0)
    scatter(j0, rows0_v, sem_s0)
    counts(j0, sem_c0)
    gather(j1, rows1_v, sem_g1)

    gather_wait(j1, rows1_v, sem_g1)
    scatter(j1, rows1_v, sem_s1)
    counts(j1, sem_c1)

    pltpu.make_async_copy(rows0_v, acc_sh.at[didx_v.at[j0]], sem_s0).wait()
    pltpu.make_async_copy(ones_v, cnt_sh.at[didx_v.at[j0]], sem_c0).wait()

    @pl.when(i < n_half - 1)
    def _():
      gather(j0 + 2, rows0_v, sem_g0)

    pltpu.make_async_copy(rows1_v, acc_sh.at[didx_v.at[j1]], sem_s1).wait()
    pltpu.make_async_copy(ones_v, cnt_sh.at[didx_v.at[j1]], sem_c1).wait()
    return carry

  lax.fori_loop(0, n_half, body, 0)
  plsc.subcore_barrier()

  for k in range(nz):
    pltpu.async_copy(acc_sh.at[pl.ds(row0 + k * CHUNK, CHUNK)],
                     sums_out.at[c, pl.ds(row0 + k * CHUNK, CHUNK)], sem_s0)
    pltpu.async_copy(cnt_sh.at[pl.ds(row0 + k * CHUNK, CHUNK)],
                     cnts_out.at[c, pl.ds(row0 + k * CHUNK, CHUNK)], sem_s1)
  for k in range(nz):
    pltpu.make_async_copy(
        acc_sh.at[pl.ds(row0 + k * CHUNK, CHUNK)],
        sums_out.at[c, pl.ds(row0 + k * CHUNK, CHUNK)], sem_s0).wait()
    pltpu.make_async_copy(
        cnt_sh.at[pl.ds(row0 + k * CHUNK, CHUNK)],
        cnts_out.at[c, pl.ds(row0 + k * CHUNK, CHUNK)], sem_s1).wait()


def _tc_body(sums_ref, cnts_ref, w_ref, b_ref, out_ref):
  ssum = sums_ref[0] + sums_ref[1]
  cnt = cnts_ref[0, :, 0:1] + cnts_ref[1, :, 0:1]
  neigh = ssum / jnp.maximum(cnt, 1.0)
  acc = lax.dot_general(neigh, w_ref[...], (((1,), (1,)), ((), ())),
                        preferred_element_type=jnp.float32)
  out_ref[...] = jnp.maximum(acc + b_ref[...], 0.0)


def kernel(node_feats, edge_index, W, b):
  n, d = node_feats.shape
  e = edge_index.shape[1]
  src = edge_index[0].astype(jnp.int32)
  dst = edge_index[1].astype(jnp.int32)

  tot_chunks = NS * (SPLIT_A + SPLIT_B)
  e_pad = tot_chunks * CHUNK
  assert e_pad >= e, (e_pad, e)
  if e_pad != e:
    pad = e_pad - e
    src = jnp.concatenate([src, jnp.zeros((pad,), jnp.int32)])
    dst = jnp.concatenate([dst, jnp.full((pad,), NPAD - 1, jnp.int32)])
  src2 = src.reshape(tot_chunks, CHUNK)
  dst2 = dst.reshape(tot_chunks, CHUNK)
  extra = MAXSPLIT - SPLIT_B
  if extra:
    src2 = jnp.concatenate([src2, jnp.zeros((extra, CHUNK), jnp.int32)])
    dst2 = jnp.concatenate(
        [dst2, jnp.full((extra, CHUNK), NPAD - 1, jnp.int32)])

  zrow = jnp.zeros((CHUNK, D), jnp.float32)
  zcnt = jnp.zeros((CHUNK, CW), jnp.float32)
  ones = jnp.ones((CHUNK, CW), jnp.float32)

  mesh = plsc.VectorSubcoreMesh(core_axis_name="c", subcore_axis_name="s",
                                num_cores=NC, num_subcores=NS)
  sc_fn = pl.kernel(
      _sc_body,
      out_type=[
          jax.ShapeDtypeStruct((NC, NPAD, D), jnp.float32),
          jax.ShapeDtypeStruct((NC, NPAD, CW), jnp.float32),
      ],
      mesh=mesh,
      compiler_params=pltpu.CompilerParams(use_tc_tiling_on_sc=False),
      scratch_types=[
          pltpu.VMEM((MAXSPLIT, CHUNK), jnp.int32),
          pltpu.VMEM((MAXSPLIT, CHUNK), jnp.int32),
          pltpu.VMEM((CHUNK, D), jnp.float32),
          pltpu.VMEM((CHUNK, D), jnp.float32),
          pltpu.VMEM((CHUNK, CW), jnp.float32),
          pltpu.VMEM((CHUNK, CW), jnp.float32),
          pltpu.VMEM_SHARED((NPAD, D), jnp.float32),
          pltpu.VMEM_SHARED((NPAD, CW), jnp.float32),
          pltpu.SemaphoreType.DMA,
          pltpu.SemaphoreType.DMA,
          pltpu.SemaphoreType.DMA,
          pltpu.SemaphoreType.DMA,
          pltpu.SemaphoreType.DMA,
          pltpu.SemaphoreType.DMA,
      ],
  )
  sums, cnts = sc_fn(node_feats, src2, dst2, zrow, zcnt, ones)

  BR = 400
  assert n % BR == 0
  out = pl.pallas_call(
      _tc_body,
      grid=(n // BR,),
      in_specs=[
          pl.BlockSpec((NC, BR, D), lambda i: (0, i, 0)),
          pl.BlockSpec((NC, BR, CW), lambda i: (0, i, 0)),
          pl.BlockSpec((D, D), lambda i: (0, 0)),
          pl.BlockSpec((1, D), lambda i: (0, 0)),
      ],
      out_specs=pl.BlockSpec((BR, D), lambda i: (i, 0)),
      out_shape=jax.ShapeDtypeStruct((n, D), jnp.float32),
  )(sums, cnts, W, b.reshape(1, D))
  return out

# --- scband reference (transcript-rebuilt; emitter-appended) ---
"""Pipeline reference for scband-gcnlayer-78151224918240 (READ-ONLY COPY).

The authoritative reference and input builder live on the scoring server;
editing this copy changes nothing except your own understanding.
"""

import jax, jax.numpy as jnp
import numpy as np

N_NODES = 10000
N_EDGES = 320000
D_IN = 128
D_OUT = 128

def setup_inputs(seed: int = 0) -> dict:
    key = jax.random.key(seed)
    k1, k2, k3, k4 = jax.random.split(key, 4)
    node_feats = jax.random.normal(k1, (N_NODES, D_IN), dtype=jnp.float32)
    edge_index = jax.random.randint(k2, (2, N_EDGES), 0, N_NODES, dtype=jnp.int64)
    # nn.Linear(in_feats, out_feats) parameters (kaiming-uniform-ish init)
    bound = 1.0 / np.sqrt(D_IN)
    W = jax.random.uniform(k3, (D_OUT, D_IN), minval=-bound, maxval=bound, dtype=jnp.float32)
    b = jax.random.uniform(k4, (D_OUT,), minval=-bound, maxval=bound, dtype=jnp.float32)
    return {"node_feats": node_feats, "edge_index": edge_index, "W": W, "b": b}

def reference(node_feats, edge_index, W, b):
    # DGL: g.update_all(fn.copy_u('h','m'), fn.mean('m','neigh'))
    # message = h[src], aggregated by mean over incoming edges at dst
    src = edge_index[0]
    dst = edge_index[1]
    msgs = jnp.take(node_feats, src, axis=0)                    # gather  [E, d]
    summed = jax.ops.segment_sum(msgs, dst, num_segments=N_NODES)  # scatter-add [N, d]
    counts = jax.ops.segment_sum(jnp.ones((msgs.shape[0],), dtype=node_feats.dtype), dst, num_segments=N_NODES)
    neigh = summed / jnp.maximum(counts, 1.0)[:, None]          # mean (0 for isolated nodes)
    # node_feats = relu(linear(neigh))
    out = jax.nn.relu(neigh @ W.T + b)
    return out

if __name__ == "__main__":
    import jax
    _d = setup_inputs()
    print(jax.jit(kernel)(*tuple(_d.values())))

</pallas_src>

<mosaic_0001>
#map = affine_map<(d0, d1) -> (0, 0)>
#map1 = affine_map<(d0, d1) -> (0, 0, 0)>
module attributes {stable_mosaic.version = 14 : i64} {
  func.func @_sc_body(%arg0: i32, %arg1: i32, %arg2: memref<10000x128xf32, #tpu.memory_space<hbm>>, %arg3: memref<5110x64xi32, #tpu.memory_space<hbm>>, %arg4: memref<5110x64xi32, #tpu.memory_space<hbm>>, %arg5: memref<64x128xf32, #tpu.memory_space<hbm>>, %arg6: memref<64x8xf32, #tpu.memory_space<hbm>>, %arg7: memref<64x8xf32, #tpu.memory_space<hbm>>, %arg8: memref<2x10240x128xf32, #tpu.memory_space<hbm>>, %arg9: memref<2x10240x8xf32, #tpu.memory_space<hbm>>, %arg10: memref<200x64xi32, #tpu.memory_space<vmem>>, %arg11: memref<200x64xi32, #tpu.memory_space<vmem>>, %arg12: memref<64x128xf32, #tpu.memory_space<vmem>>, %arg13: memref<64x128xf32, #tpu.memory_space<vmem>>, %arg14: memref<64x8xf32, #tpu.memory_space<vmem>>, %arg15: memref<64x8xf32, #tpu.memory_space<vmem>>, %arg16: memref<10240x128xf32, #tpu.memory_space<vmem_shared>>, %arg17: memref<10240x8xf32, #tpu.memory_space<vmem_shared>>, %arg18: memref<!tpu.dma_semaphore, #tpu.memory_space<semaphore_mem>>, %arg19: memref<!tpu.dma_semaphore, #tpu.memory_space<semaphore_mem>>, %arg20: memref<!tpu.dma_semaphore, #tpu.memory_space<semaphore_mem>>, %arg21: memref<!tpu.dma_semaphore, #tpu.memory_space<semaphore_mem>>, %arg22: memref<!tpu.dma_semaphore, #tpu.memory_space<semaphore_mem>>, %arg23: memref<!tpu.dma_semaphore, #tpu.memory_space<semaphore_mem>>) attributes {dimension_semantics = [#tpu.dimension_semantics<core_parallel>, #tpu.dimension_semantics<subcore_parallel>], iteration_bounds = array<i64: 2, 16>, scalar_prefetch = 0 : i64, scratch_operands = 14 : i64, tpu.core_type = #tpu.core_type<sc_vector_subcore>, window_params = [{transform_indices = #map}, {transform_indices = #map}, {transform_indices = #map}, {transform_indices = #map}, {transform_indices = #map}, {transform_indices = #map}, {transform_indices = #map1}, {transform_indices = #map1}]} {
    %eq3A = arith.constant 0 : i32
    %eq3A_0 = arith.cmpi eq, %arg0, %eq3A : i32
    %mul3A = arith.constant 200 : i32
    %mul3A_1 = arith.muli %arg1, %mul3A : i32
    %mul3A_2 = arith.constant 114 : i32
    %mul3A_3 = arith.muli %arg1, %mul3A_2 : i32
    %add3A = arith.constant 3200 : i32
    %add3A_4 = arith.addi %add3A, %mul3A_3 : i32
    %select_n3A = arith.select %eq3A_0, %mul3A_1, %add3A_4 : i32
    %eq3A_5 = arith.constant 0 : i32
    %eq3A_6 = arith.cmpi eq, %arg0, %eq3A_5 : i32
    %select_n3A_7 = arith.constant 57 : i32
    %select_n3A_8 = arith.constant 100 : i32
    %select_n3A_9 = arith.select %eq3A_6, %select_n3A_8, %select_n3A_7 : i32
    %mul3A_10 = arith.constant 640 : i32
    %mul3A_11 = arith.muli %arg1, %mul3A_10 : i32
    "tpu.region"() ({
      %run_scoped3A = tpu.sem_alloc : memref<!tpu.dma_semaphore, #tpu.memory_space<semaphore_mem>>
      tpu.enqueue_dma source(%arg5 : memref<64x128xf32, #tpu.memory_space<hbm>>) target(%arg12 : memref<64x128xf32, #tpu.memory_space<vmem>>) target_semaphore(%run_scoped3A : memref<!tpu.dma_semaphore, #tpu.memory_space<semaphore_mem>>)
      tpu.wait_dma2 semaphore(%run_scoped3A : memref<!tpu.dma_semaphore, #tpu.memory_space<semaphore_mem>>) src(%arg5 : memref<64x128xf32, #tpu.memory_space<hbm>>) dst(%arg12 : memref<64x128xf32, #tpu.memory_space<vmem>>)
      tpu.yield
    }) : () -> ()
    "tpu.region"() ({
      %run_scoped3A = tpu.sem_alloc : memref<!tpu.dma_semaphore, #tpu.memory_space<semaphore_mem>>
      tpu.enqueue_dma source(%arg6 : memref<64x8xf32, #tpu.memory_space<hbm>>) target(%arg15 : memref<64x8xf32, #tpu.memory_space<vmem>>) target_semaphore(%run_scoped3A : memref<!tpu.dma_semaphore, #tpu.memory_space<semaphore_mem>>)
      tpu.wait_dma2 semaphore(%run_scoped3A : memref<!tpu.dma_semaphore, #tpu.memory_space<semaphore_mem>>) src(%arg6 : memref<64x8xf32, #tpu.memory_space<hbm>>) dst(%arg15 : memref<64x8xf32, #tpu.memory_space<vmem>>)
      tpu.yield
    }) : () -> ()
    %add3A_12 = arith.constant 0 : i32
    %add3A_13 = arith.addi %mul3A_11, %add3A_12 : i32
    %dma_start3A = arith.constant 0 : i32
    %dma_start3A_14 = tpu.memref_slice %arg16[%add3A_13, %dma_start3A] : memref<10240x128xf32, #tpu.memory_space<vmem_shared>> -> memref<64x128xf32, #tpu.memory_space<vmem_shared>>
    %dma_start3A_15 = arith.constant 0 : i32
    %dma_start3A_16 = tpu.memref_slice %arg16[%add3A_13, %dma_start3A_15] : memref<10240x128xf32, #tpu.memory_space<vmem_shared>> -> memref<64x128xf32, #tpu.memory_space<vmem_shared>>
    tpu.enqueue_dma source(%arg12 : memref<64x128xf32, #tpu.memory_space<vmem>>) target(%dma_start3A_16 : memref<64x128xf32, #tpu.memory_space<vmem_shared>>) target_semaphore(%arg20 : memref<!tpu.dma_semaphore, #tpu.memory_space<semaphore_mem>>)
    %add3A_17 = arith.constant 0 : i32
    %add3A_18 = arith.addi %mul3A_11, %add3A_17 : i32
    %dma_start3A_19 = arith.constant 0 : i32
    %dma_start3A_20 = tpu.memref_slice %arg17[%add3A_18, %dma_start3A_19] : memref<10240x8xf32, #tpu.memory_space<vmem_shared>> -> memref<64x8xf32, #tpu.memory_space<vmem_shared>>
    %dma_start3A_21 = arith.constant 0 : i32
    %dma_start3A_22 = tpu.memref_slice %arg17[%add3A_18, %dma_start3A_21] : memref<10240x8xf32, #tpu.memory_space<vmem_shared>> -> memref<64x8xf32, #tpu.memory_space<vmem_shared>>
    tpu.enqueue_dma source(%arg15 : memref<64x8xf32, #tpu.memory_space<vmem>>) target(%dma_start3A_22 : memref<64x8xf32, #tpu.memory_space<vmem_shared>>) target_semaphore(%arg21 : memref<!tpu.dma_semaphore, #tpu.memory_space<semaphore_mem>>)
    %add3A_23 = arith.constant 64 : i32
    %add3A_24 = arith.addi %mul3A_11, %add3A_23 : i32
    %dma_start3A_25 = arith.constant 0 : i32
    %dma_start3A_26 = tpu.memref_slice %arg16[%add3A_24, %dma_start3A_25] : memref<10240x128xf32, #tpu.memory_space<vmem_shared>> -> memref<64x128xf32, #tpu.memory_space<vmem_shared>>
    %dma_start3A_27 = arith.constant 0 : i32
    %dma_start3A_28 = tpu.memref_slice %arg16[%add3A_24, %dma_start3A_27] : memref<10240x128xf32, #tpu.memory_space<vmem_shared>> -> memref<64x128xf32, #tpu.memory_space<vmem_shared>>
    tpu.enqueue_dma source(%arg12 : memref<64x128xf32, #tpu.memory_space<vmem>>) target(%dma_start3A_28 : memref<64x128xf32, #tpu.memory_space<vmem_shared>>) target_semaphore(%arg20 : memref<!tpu.dma_semaphore, #tpu.memory_space<semaphore_mem>>)
    %add3A_29 = arith.constant 64 : i32
    %add3A_30 = arith.addi %mul3A_11, %add3A_29 : i32
    %dma_start3A_31 = arith.constant 0 : i32
    %dma_start3A_32 = tpu.memref_slice %arg17[%add3A_30, %dma_start3A_31] : memref<10240x8xf32, #tpu.memory_space<vmem_shared>> -> memref<64x8xf32, #tpu.memory_space<vmem_shared>>
    %dma_start3A_33 = arith.constant 0 : i32
    %dma_start3A_34 = tpu.memref_slice %arg17[%add3A_30, %dma_start3A_33] : memref<10240x8xf32, #tpu.memory_space<vmem_shared>> -> memref<64x8xf32, #tpu.memory_space<vmem_shared>>
    tpu.enqueue_dma source(%arg15 : memref<64x8xf32, #tpu.memory_space<vmem>>) target(%dma_start3A_34 : memref<64x8xf32, #tpu.memory_space<vmem_shared>>) target_semaphore(%arg21 : memref<!tpu.dma_semaphore, #tpu.memory_space<semaphore_mem>>)
    %add3A_35 = arith.constant 128 : i32
    %add3A_36 = arith.addi %mul3A_11, %add3A_35 : i32
    %dma_start3A_37 = arith.constant 0 : i32
    %dma_start3A_38 = tpu.memref_slice %arg16[%add3A_36, %dma_start3A_37] : memref<10240x128xf32, #tpu.memory_space<vmem_shared>> -> memref<64x128xf32, #tpu.memory_space<vmem_shared>>
    %dma_start3A_39 = arith.constant 0 : i32
    %dma_start3A_40 = tpu.memref_slice %arg16[%add3A_36, %dma_start3A_39] : memref<10240x128xf32, #tpu.memory_space<vmem_shared>> -> memref<64x128xf32, #tpu.memory_space<vmem_shared>>
    tpu.enqueue_dma source(%arg12 : memref<64x128xf32, #tpu.memory_space<vmem>>) target(%dma_start3A_40 : memref<64x128xf32, #tpu.memory_space<vmem_shared>>) target_semaphore(%arg20 : memref<!tpu.dma_semaphore, #tpu.memory_space<semaphore_mem>>)
    %add3A_41 = arith.constant 128 : i32
    %add3A_42 = arith.addi %mul3A_11, %add3A_41 : i32
    %dma_start3A_43 = arith.constant 0 : i32
    %dma_start3A_44 = tpu.memref_slice %arg17[%add3A_42, %dma_start3A_43] : memref<10240x8xf32, #tpu.memory_space<vmem_shared>> -> memref<64x8xf32, #tpu.memory_space<vmem_shared>>
    %dma_start3A_45 = arith.constant 0 : i32
    %dma_start3A_46 = tpu.memref_slice %arg17[%add3A_42, %dma_start3A_45] : memref<10240x8xf32, #tpu.memory_space<vmem_shared>> -> memref<64x8xf32, #tpu.memory_space<vmem_shared>>
    tpu.enqueue_dma source(%arg15 : memref<64x8xf32, #tpu.memory_space<vmem>>) target(%dma_start3A_46 : memref<64x8xf32, #tpu.memory_space<vmem_shared>>) target_semaphore(%arg21 : memref<!tpu.dma_semaphore, #tpu.memory_space<semaphore_mem>>)
    %add3A_47 = arith.constant 192 : i32
    %add3A_48 = arith.addi %mul3A_11, %add3A_47 : i32
    %dma_start3A_49 = arith.constant 0 : i32
    %dma_start3A_50 = tpu.memref_slice %arg16[%add3A_48, %dma_start3A_49] : memref<10240x128xf32, #tpu.memory_space<vmem_shared>> -> memref<64x128xf32, #tpu.memory_space<vmem_shared>>
    %dma_start3A_51 = arith.constant 0 : i32
    %dma_start3A_52 = tpu.memref_slice %arg16[%add3A_48, %dma_start3A_51] : memref<10240x128xf32, #tpu.memory_space<vmem_shared>> -> memref<64x128xf32, #tpu.memory_space<vmem_shared>>
    tpu.enqueue_dma source(%arg12 : memref<64x128xf32, #tpu.memory_space<vmem>>) target(%dma_start3A_52 : memref<64x128xf32, #tpu.memory_space<vmem_shared>>) target_semaphore(%arg20 : memref<!tpu.dma_semaphore, #tpu.memory_space<semaphore_mem>>)
    %add3A_53 = arith.constant 192 : i32
    %add3A_54 = arith.addi %mul3A_11, %add3A_53 : i32
    %dma_start3A_55 = arith.constant 0 : i32
    %dma_start3A_56 = tpu.memref_slice %arg17[%add3A_54, %dma_start3A_55] : memref<10240x8xf32, #tpu.memory_space<vmem_shared>> -> memref<64x8xf32, #tpu.memory_space<vmem_shared>>
    %dma_start3A_57 = arith.constant 0 : i32
    %dma_start3A_58 = tpu.memref_slice %arg17[%add3A_54, %dma_start3A_57] : memref<10240x8xf32, #tpu.memory_space<vmem_shared>> -> memref<64x8xf32, #tpu.memory_space<vmem_shared>>
    tpu.enqueue_dma source(%arg15 : memref<64x8xf32, #tpu.memory_space<vmem>>) target(%dma_start3A_58 : memref<64x8xf32, #tpu.memory_space<vmem_shared>>) target_semaphore(%arg21 : memref<!tpu.dma_semaphore, #tpu.memory_space<semaphore_mem>>)
    %add3A_59 = arith.constant 256 : i32
    %add3A_60 = arith.addi %mul3A_11, %add3A_59 : i32
    %dma_start3A_61 = arith.constant 0 : i32
    %dma_start3A_62 = tpu.memref_slice %arg16[%add3A_60, %dma_start3A_61] : memref<10240x128xf32, #tpu.memory_space<vmem_shared>> -> memref<64x128xf32, #tpu.memory_space<vmem_shared>>
    %dma_start3A_63 = arith.constant 0 : i32
    %dma_start3A_64 = tpu.memref_slice %arg16[%add3A_60, %dma_start3A_63] : memref<10240x128xf32, #tpu.memory_space<vmem_shared>> -> memref<64x128xf32, #tpu.memory_space<vmem_shared>>
    tpu.enqueue_dma source(%arg12 : memref<64x128xf32, #tpu.memory_space<vmem>>) target(%dma_start3A_64 : memref<64x128xf32, #tpu.memory_space<vmem_shared>>) target_semaphore(%arg20 : memref<!tpu.dma_semaphore, #tpu.memory_space<semaphore_mem>>)
    %add3A_65 = arith.constant 256 : i32
    %add3A_66 = arith.addi %mul3A_11, %add3A_65 : i32
    %dma_start3A_67 = arith.constant 0 : i32
    %dma_start3A_68 = tpu.memref_slice %arg17[%add3A_66, %dma_start3A_67] : memref<10240x8xf32, #tpu.memory_space<vmem_shared>> -> memref<64x8xf32, #tpu.memory_space<vmem_shared>>
    %dma_start3A_69 = arith.constant 0 : i32
    %dma_start3A_70 = tpu.memref_slice %arg17[%add3A_66, %dma_start3A_69] : memref<10240x8xf32, #tpu.memory_space<vmem_shared>> -> memref<64x8xf32, #tpu.memory_space<vmem_shared>>
    tpu.enqueue_dma source(%arg15 : memref<64x8xf32, #tpu.memory_space<vmem>>) target(%dma_start3A_70 : memref<64x8xf32, #tpu.memory_space<vmem_shared>>) target_semaphore(%arg21 : memref<!tpu.dma_semaphore, #tpu.memory_space<semaphore_mem>>)
    %add3A_71 = arith.constant 320 : i32
    %add3A_72 = arith.addi %mul3A_11, %add3A_71 : i32
    %dma_start3A_73 = arith.constant 0 : i32
    %dma_start3A_74 = tpu.memref_slice %arg16[%add3A_72, %dma_start3A_73] : memref<10240x128xf32, #tpu.memory_space<vmem_shared>> -> memref<64x128xf32, #tpu.memory_space<vmem_shared>>
    %dma_start3A_75 = arith.constant 0 : i32
    %dma_start3A_76 = tpu.memref_slice %arg16[%add3A_72, %dma_start3A_75] : memref<10240x128xf32, #tpu.memory_space<vmem_shared>> -> memref<64x128xf32, #tpu.memory_space<vmem_shared>>
    tpu.enqueue_dma source(%arg12 : memref<64x128xf32, #tpu.memory_space<vmem>>) target(%dma_start3A_76 : memref<64x128xf32, #tpu.memory_space<vmem_shared>>) target_semaphore(%arg20 : memref<!tpu.dma_semaphore, #tpu.memory_space<semaphore_mem>>)
    %add3A_77 = arith.constant 320 : i32
    %add3A_78 = arith.addi %mul3A_11, %add3A_77 : i32
    %dma_start3A_79 = arith.constant 0 : i32
    %dma_start3A_80 = tpu.memref_slice %arg17[%add3A_78, %dma_start3A_79] : memref<10240x8xf32, #tpu.memory_space<vmem_shared>> -> memref<64x8xf32, #tpu.memory_space<vmem_shared>>
    %dma_start3A_81 = arith.constant 0 : i32
    %dma_start3A_82 = tpu.memref_slice %arg17[%add3A_78, %dma_start3A_81] : memref<10240x8xf32, #tpu.memory_space<vmem_shared>> -> memref<64x8xf32, #tpu.memory_space<vmem_shared>>
    tpu.enqueue_dma source(%arg15 : memref<64x8xf32, #tpu.memory_space<vmem>>) target(%dma_start3A_82 : memref<64x8xf32, #tpu.memory_space<vmem_shared>>) target_semaphore(%arg21 : memref<!tpu.dma_semaphore, #tpu.memory_space<semaphore_mem>>)
    %add3A_83 = arith.constant 384 : i32
    %add3A_84 = arith.addi %mul3A_11, %add3A_83 : i32
    %dma_start3A_85 = arith.constant 0 : i32
    %dma_start3A_86 = tpu.memref_slice %arg16[%add3A_84, %dma_start3A_85] : memref<10240x128xf32, #tpu.memory_space<vmem_shared>> -> memref<64x128xf32, #tpu.memory_space<vmem_shared>>
    %dma_start3A_87 = arith.constant 0 : i32
    %dma_start3A_88 = tpu.memref_slice %arg16[%add3A_84, %dma_start3A_87] : memref<10240x128xf32, #tpu.memory_space<vmem_shared>> -> memref<64x128xf32, #tpu.memory_space<vmem_shared>>
    tpu.enqueue_dma source(%arg12 : memref<64x128xf32, #tpu.memory_space<vmem>>) target(%dma_start3A_88 : memref<64x128xf32, #tpu.memory_space<vmem_shared>>) target_semaphore(%arg20 : memref<!tpu.dma_semaphore, #tpu.memory_space<semaphore_mem>>)
    %add3A_89 = arith.constant 384 : i32
    %add3A_90 = arith.addi %mul3A_11, %add3A_89 : i32
    %dma_start3A_91 = arith.constant 0 : i32
    %dma_start3A_92 = tpu.memref_slice %arg17[%add3A_90, %dma_start3A_91] : memref<10240x8xf32, #tpu.memory_space<vmem_shared>> -> memref<64x8xf32, #tpu.memory_space<vmem_shared>>
    %dma_start3A_93 = arith.constant 0 : i32
    %dma_start3A_94 = tpu.memref_slice %arg17[%add3A_90, %dma_start3A_93] : memref<10240x8xf32, #tpu.memory_space<vmem_shared>> -> memref<64x8xf32, #tpu.memory_space<vmem_shared>>
    tpu.enqueue_dma source(%arg15 : memref<64x8xf32, #tpu.memory_space<vmem>>) target(%dma_start3A_94 : memref<64x8xf32, #tpu.memory_space<vmem_shared>>) target_semaphore(%arg21 : memref<!tpu.dma_semaphore, #tpu.memory_space<semaphore_mem>>)
    %add3A_95 = arith.constant 448 : i32
    %add3A_96 = arith.addi %mul3A_11, %add3A_95 : i32
    %dma_start3A_97 = arith.constant 0 : i32
    %dma_start3A_98 = tpu.memref_slice %arg16[%add3A_96, %dma_start3A_97] : memref<10240x128xf32, #tpu.memory_space<vmem_shared>> -> memref<64x128xf32, #tpu.memory_space<vmem_shared>>
    %dma_start3A_99 = arith.constant 0 : i32
    %dma_start3A_100 = tpu.memref_slice %arg16[%add3A_96, %dma_start3A_99] : memref<10240x128xf32, #tpu.memory_space<vmem_shared>> -> memref<64x128xf32, #tpu.memory_space<vmem_shared>>
    tpu.enqueue_dma source(%arg12 : memref<64x128xf32, #tpu.memory_space<vmem>>) target(%dma_start3A_100 : memref<64x128xf32, #tpu.memory_space<vmem_shared>>) target_semaphore(%arg20 : memref<!tpu.dma_semaphore, #tpu.memory_space<semaphore_mem>>)
    %add3A_101 = arith.constant 448 : i32
    %add3A_102 = arith.addi %mul3A_11, %add3A_101 : i32
    %dma_start3A_103 = arith.constant 0 : i32
    %dma_start3A_104 = tpu.memref_slice %arg17[%add3A_102, %dma_start3A_103] : memref<10240x8xf32, #tpu.memory_space<vmem_shared>> -> memref<64x8xf32, #tpu.memory_space<vmem_shared>>
    %dma_start3A_105 = arith.constant 0 : i32
    %dma_start3A_106 = tpu.memref_slice %arg17[%add3A_102, %dma_start3A_105] : memref<10240x8xf32, #tpu.memory_space<vmem_shared>> -> memref<64x8xf32, #tpu.memory_space<vmem_shared>>
    tpu.enqueue_dma source(%arg15 : memref<64x8xf32, #tpu.memory_space<vmem>>) target(%dma_start3A_106 : memref<64x8xf32, #tpu.memory_space<vmem_shared>>) target_semaphore(%arg21 : memref<!tpu.dma_semaphore, #tpu.memory_space<semaphore_mem>>)
    %add3A_107 = arith.constant 512 : i32
    %add3A_108 = arith.addi %mul3A_11, %add3A_107 : i32
    %dma_start3A_109 = arith.constant 0 : i32
    %dma_start3A_110 = tpu.memref_slice %arg16[%add3A_108, %dma_start3A_109] : memref<10240x128xf32, #tpu.memory_space<vmem_shared>> -> memref<64x128xf32, #tpu.memory_space<vmem_shared>>
    %dma_start3A_111 = arith.constant 0 : i32
    %dma_start3A_112 = tpu.memref_slice %arg16[%add3A_108, %dma_start3A_111] : memref<10240x128xf32, #tpu.memory_space<vmem_shared>> -> memref<64x128xf32, #tpu.memory_space<vmem_shared>>
    tpu.enqueue_dma source(%arg12 : memref<64x128xf32, #tpu.memory_space<vmem>>) target(%dma_start3A_112 : memref<64x128xf32, #tpu.memory_space<vmem_shared>>) target_semaphore(%arg20 : memref<!tpu.dma_semaphore, #tpu.memory_space<semaphore_mem>>)
    %add3A_113 = arith.constant 512 : i32
    %add3A_114 = arith.addi %mul3A_11, %add3A_113 : i32
    %dma_start3A_115 = arith.constant 0 : i32
    %dma_start3A_116 = tpu.memref_slice %arg17[%add3A_114, %dma_start3A_115] : memref<10240x8xf32, #tpu.memory_space<vmem_shared>> -> memref<64x8xf32, #tpu.memory_space<vmem_shared>>
    %dma_start3A_117 = arith.constant 0 : i32
    %dma_start3A_118 = tpu.memref_slice %arg17[%add3A_114, %dma_start3A_117] : memref<10240x8xf32, #tpu.memory_space<vmem_shared>> -> memref<64x8xf32, #tpu.memory_space<vmem_shared>>
    tpu.enqueue_dma source(%arg15 : memref<64x8xf32, #tpu.memory_space<vmem>>) target(%dma_start3A_118 : memref<64x8xf32, #tpu.memory_space<vmem_shared>>) target_semaphore(%arg21 : memref<!tpu.dma_semaphore, #tpu.memory_space<semaphore_mem>>)
    %add3A_119 = arith.constant 576 : i32
    %add3A_120 = arith.addi %mul3A_11, %add3A_119 : i32
    %dma_start3A_121 = arith.constant 0 : i32
    %dma_start3A_122 = tpu.memref_slice %arg16[%add3A_120, %dma_start3A_121] : memref<10240x128xf32, #tpu.memory_space<vmem_shared>> -> memref<64x128xf32, #tpu.memory_space<vmem_shared>>
    %dma_start3A_123 = arith.constant 0 : i32
    %dma_start3A_124 = tpu.memref_slice %arg16[%add3A_120, %dma_start3A_123] : memref<10240x128xf32, #tpu.memory_space<vmem_shared>> -> memref<64x128xf32, #tpu.memory_space<vmem_shared>>
    tpu.enqueue_dma source(%arg12 : memref<64x128xf32, #tpu.memory_space<vmem>>) target(%dma_start3A_124 : memref<64x128xf32, #tpu.memory_space<vmem_shared>>) target_semaphore(%arg20 : memref<!tpu.dma_semaphore, #tpu.memory_space<semaphore_mem>>)
    %add3A_125 = arith.constant 576 : i32
    %add3A_126 = arith.addi %mul3A_11, %add3A_125 : i32
    %dma_start3A_127 = arith.constant 0 : i32
    %dma_start3A_128 = tpu.memref_slice %arg17[%add3A_126, %dma_start3A_127] : memref<10240x8xf32, #tpu.memory_space<vmem_shared>> -> memref<64x8xf32, #tpu.memory_space<vmem_shared>>
    %dma_start3A_129 = arith.constant 0 : i32
    %dma_start3A_130 = tpu.memref_slice %arg17[%add3A_126, %dma_start3A_129] : memref<10240x8xf32, #tpu.memory_space<vmem_shared>> -> memref<64x8xf32, #tpu.memory_space<vmem_shared>>
    tpu.enqueue_dma source(%arg15 : memref<64x8xf32, #tpu.memory_space<vmem>>) target(%dma_start3A_130 : memref<64x8xf32, #tpu.memory_space<vmem_shared>>) target_semaphore(%arg21 : memref<!tpu.dma_semaphore, #tpu.memory_space<semaphore_mem>>)
    %dma_start3A_131 = arith.constant 0 : i32
    %dma_start3A_132 = tpu.memref_slice %arg3[%select_n3A, %dma_start3A_131] : memref<5110x64xi32, #tpu.memory_space<hbm>> -> memref<200x64xi32, #tpu.memory_space<hbm>>
    %dma_start3A_133 = arith.constant 0 : i32
    %dma_start3A_134 = tpu.memref_slice %arg3[%select_n3A, %dma_start3A_133] : memref<5110x64xi32, #tpu.memory_space<hbm>> -> memref<200x64xi32, #tpu.memory_space<hbm>>
    tpu.enqueue_dma source(%dma_start3A_134 : memref<200x64xi32, #tpu.memory_space<hbm>>) target(%arg10 : memref<200x64xi32, #tpu.memory_space<vmem>>) target_semaphore(%arg18 : memref<!tpu.dma_semaphore, #tpu.memory_space<semaphore_mem>>)
    %dma_start3A_135 = arith.constant 0 : i32
    %dma_start3A_136 = tpu.memref_slice %arg4[%select_n3A, %dma_start3A_135] : memref<5110x64xi32, #tpu.memory_space<hbm>> -> memref<200x64xi32, #tpu.memory_space<hbm>>
    %dma_start3A_137 = arith.constant 0 : i32
    %dma_start3A_138 = tpu.memref_slice %arg4[%select_n3A, %dma_start3A_137] : memref<5110x64xi32, #tpu.memory_space<hbm>> -> memref<200x64xi32, #tpu.memory_space<hbm>>
    tpu.enqueue_dma source(%dma_start3A_138 : memref<200x64xi32, #tpu.memory_space<hbm>>) target(%arg11 : memref<200x64xi32, #tpu.memory_space<vmem>>) target_semaphore(%arg19 : memref<!tpu.dma_semaphore, #tpu.memory_space<semaphore_mem>>)
    tpu.enqueue_dma source(%arg7 : memref<64x8xf32, #tpu.memory_space<hbm>>) target(%arg14 : memref<64x8xf32, #tpu.memory_space<vmem>>) target_semaphore(%arg22 : memref<!tpu.dma_semaphore, #tpu.memory_space<semaphore_mem>>)
    %add3A_139 = arith.constant 0 : i32
    %add3A_140 = arith.addi %mul3A_11, %add3A_139 : i32
    %dma_wait3A = arith.constant 0 : i32
    %dma_wait3A_141 = tpu.memref_slice %arg16[%add3A_140, %dma_wait3A] : memref<10240x128xf32, #tpu.memory_space<vmem_shared>> -> memref<64x128xf32, #tpu.memory_space<vmem_shared>>
    %dma_wait3A_142 = arith.constant 0 : i32
    %dma_wait3A_143 = tpu.memref_slice %arg16[%add3A_140, %dma_wait3A_142] : memref<10240x128xf32, #tpu.memory_space<vmem_shared>> -> memref<64x128xf32, #tpu.memory_space<vmem_shared>>
    tpu.wait_dma2 semaphore(%arg20 : memref<!tpu.dma_semaphore, #tpu.memory_space<semaphore_mem>>) src(%arg12 : memref<64x128xf32, #tpu.memory_space<vmem>>) dst(%dma_wait3A_143 : memref<64x128xf32, #tpu.memory_space<vmem_shared>>)
    %add3A_144 = arith.constant 0 : i32
    %add3A_145 = arith.addi %mul3A_11, %add3A_144 : i32
    %dma_wait3A_146 = arith.constant 0 : i32
    %dma_wait3A_147 = tpu.memref_slice %arg17[%add3A_145, %dma_wait3A_146] : memref<10240x8xf32, #tpu.memory_space<vmem_shared>> -> memref<64x8xf32, #tpu.memory_space<vmem_shared>>
    %dma_wait3A_148 = arith.constant 0 : i32
    %dma_wait3A_149 = tpu.memref_slice %arg17[%add3A_145, %dma_wait3A_148] : memref<10240x8xf32, #tpu.memory_space<vmem_shared>> -> memref<64x8xf32, #tpu.memory_space<vmem_shared>>
    tpu.wait_dma2 semaphore(%arg21 : memref<!tpu.dma_semaphore, #tpu.memory_space<semaphore_mem>>) src(%arg15 : memref<64x8xf32, #tpu.memory_space<vmem>>) dst(%dma_wait3A_149 : memref<64x8xf32, #tpu.memory_space<vmem_shared>>)
    %add3A_150 = arith.constant 64 : i32
    %add3A_151 = arith.addi %mul3A_11, %add3A_150 : i32
    %dma_wait3A_152 = arith.constant 0 : i32
    %dma_wait3A_153 = tpu.memref_slice %arg16[%add3A_151, %dma_wait3A_152] : memref<10240x128xf32, #tpu.memory_space<vmem_shared>> -> memref<64x128xf32, #tpu.memory_space<vmem_shared>>
    %dma_wait3A_154 = arith.constant 0 : i32
    %dma_wait3A_155 = tpu.memref_slice %arg16[%add3A_151, %dma_wait3A_154] : memref<10240x128xf32, #tpu.memory_space<vmem_shared>> -> memref<64x128xf32, #tpu.memory_space<vmem_shared>>
    tpu.wait_dma2 semaphore(%arg20 : memref<!tpu.dma_semaphore, #tpu.memory_space<semaphore_mem>>) src(%arg12 : memref<64x128xf32, #tpu.memory_space<vmem>>) dst(%dma_wait3A_155 : memref<64x128xf32, #tpu.memory_space<vmem_shared>>)
    %add3A_156 = arith.constant 64 : i32
    %add3A_157 = arith.addi %mul3A_11, %add3A_156 : i32
    %dma_wait3A_158 = arith.constant 0 : i32
    %dma_wait3A_159 = tpu.memref_slice %arg17[%add3A_157, %dma_wait3A_158] : memref<10240x8xf32, #tpu.memory_space<vmem_shared>> -> memref<64x8xf32, #tpu.memory_space<vmem_shared>>
    %dma_wait3A_160 = arith.constant 0 : i32
    %dma_wait3A_161 = tpu.memref_slice %arg17[%add3A_157, %dma_wait3A_160] : memref<10240x8xf32, #tpu.memory_space<vmem_shared>> -> memref<64x8xf32, #tpu.memory_space<vmem_shared>>
    tpu.wait_dma2 semaphore(%arg21 : memref<!tpu.dma_semaphore, #tpu.memory_space<semaphore_mem>>) src(%arg15 : memref<64x8xf32, #tpu.memory_space<vmem>>) dst(%dma_wait3A_161 : memref<64x8xf32, #tpu.memory_space<vmem_shared>>)
    %add3A_162 = arith.constant 128 : i32
    %add3A_163 = arith.addi %mul3A_11, %add3A_162 : i32
    %dma_wait3A_164 = arith.constant 0 : i32
    %dma_wait3A_165 = tpu.memref_slice %arg16[%add3A_163, %dma_wait3A_164] : memref<10240x128xf32, #tpu.memory_space<vmem_shared>> -> memref<64x128xf32, #tpu.memory_space<vmem_shared>>
    %dma_wait3A_166 = arith.constant 0 : i32
    %dma_wait3A_167 = tpu.memref_slice %arg16[%add3A_163, %dma_wait3A_166] : memref<10240x128xf32, #tpu.memory_space<vmem_shared>> -> memref<64x128xf32, #tpu.memory_space<vmem_shared>>
    tpu.wait_dma2 semaphore(%arg20 : memref<!tpu.dma_semaphore, #tpu.memory_space<semaphore_mem>>) src(%arg12 : memref<64x128xf32, #tpu.memory_space<vmem>>) dst(%dma_wait3A_167 : memref<64x128xf32, #tpu.memory_space<vmem_shared>>)
    %add3A_168 = arith.constant 128 : i32
    %add3A_169 = arith.addi %mul3A_11, %add3A_168 : i32
    %dma_wait3A_170 = arith.constant 0 : i32
    %dma_wait3A_171 = tpu.memref_slice %arg17[%add3A_169, %dma_wait3A_170] : memref<10240x8xf32, #tpu.memory_space<vmem_shared>> -> memref<64x8xf32, #tpu.memory_space<vmem_shared>>
    %dma_wait3A_172 = arith.constant 0 : i32
    %dma_wait3A_173 = tpu.memref_slice %arg17[%add3A_169, %dma_wait3A_172] : memref<10240x8xf32, #tpu.memory_space<vmem_shared>> -> memref<64x8xf32, #tpu.memory_space<vmem_shared>>
    tpu.wait_dma2 semaphore(%arg21 : memref<!tpu.dma_semaphore, #tpu.memory_space<semaphore_mem>>) src(%arg15 : memref<64x8xf32, #tpu.memory_space<vmem>>) dst(%dma_wait3A_173 : memref<64x8xf32, #tpu.memory_space<vmem_shared>>)
    %add3A_174 = arith.constant 192 : i32
    %add3A_175 = arith.addi %mul3A_11, %add3A_174 : i32
    %dma_wait3A_176 = arith.constant 0 : i32
    %dma_wait3A_177 = tpu.memref_slice %arg16[%add3A_175, %dma_wait3A_176] : memref<10240x128xf32, #tpu.memory_space<vmem_shared>> -> memref<64x128xf32, #tpu.memory_space<vmem_shared>>
    %dma_wait3A_178 = arith.constant 0 : i32
    %dma_wait3A_179 = tpu.memref_slice %arg16[%add3A_175, %dma_wait3A_178] : memref<10240x128xf32, #tpu.memory_space<vmem_shared>> -> memref<64x128xf32, #tpu.memory_space<vmem_shared>>
    tpu.wait_dma2 semaphore(%arg20 : memref<!tpu.dma_semaphore, #tpu.memory_space<semaphore_mem>>) src(%arg12 : memref<64x128xf32, #tpu.memory_space<vmem>>) dst(%dma_wait3A_179 : memref<64x128xf32, #tpu.memory_space<vmem_shared>>)
    %add3A_180 = arith.constant 192 : i32
    %add3A_181 = arith.addi %mul3A_11, %add3A_180 : i32
    %dma_wait3A_182 = arith.constant 0 : i32
    %dma_wait3A_183 = tpu.memref_slice %arg17[%add3A_181, %dma_wait3A_182] : memref<10240x8xf32, #tpu.memory_space<vmem_shared>> -> memref<64x8xf32, #tpu.memory_space<vmem_shared>>
    %dma_wait3A_184 = arith.constant 0 : i32
    %dma_wait3A_185 = tpu.memref_slice %arg17[%add3A_181, %dma_wait3A_184] : memref<10240x8xf32, #tpu.memory_space<vmem_shared>> -> memref<64x8xf32, #tpu.memory_space<vmem_shared>>
    tpu.wait_dma2 semaphore(%arg21 : memref<!tpu.dma_semaphore, #tpu.memory_space<semaphore_mem>>) src(%arg15 : memref<64x8xf32, #tpu.memory_space<vmem>>) dst(%dma_wait3A_185 : memref<64x8xf32, #tpu.memory_space<vmem_shared>>)
    %add3A_186 = arith.constant 256 : i32
    %add3A_187 = arith.addi %mul3A_11, %add3A_186 : i32
    %dma_wait3A_188 = arith.constant 0 : i32
    %dma_wait3A_189 = tpu.memref_slice %arg16[%add3A_187, %dma_wait3A_188] : memref<10240x128xf32, #tpu.memory_space<vmem_shared>> -> memref<64x128xf32, #tpu.memory_space<vmem_shared>>
    %dma_wait3A_190 = arith.constant 0 : i32
    %dma_wait3A_191 = tpu.memref_slice %arg16[%add3A_187, %dma_wait3A_190] : memref<10240x128xf32, #tpu.memory_space<vmem_shared>> -> memref<64x128xf32, #tpu.memory_space<vmem_shared>>
    tpu.wait_dma2 semaphore(%arg20 : memref<!tpu.dma_semaphore, #tpu.memory_space<semaphore_mem>>) src(%arg12 : memref<64x128xf32, #tpu.memory_space<vmem>>) dst(%dma_wait3A_191 : memref<64x128xf32, #tpu.memory_space<vmem_shared>>)
    %add3A_192 = arith.constant 256 : i32
    %add3A_193 = arith.addi %mul3A_11, %add3A_192 : i32
    %dma_wait3A_194 = arith.constant 0 : i32
    %dma_wait3A_195 = tpu.memref_slice %arg17[%add3A_193, %dma_wait3A_194] : memref<10240x8xf32, #tpu.memory_space<vmem_shared>> -> memref<64x8xf32, #tpu.memory_space<vmem_shared>>
    %dma_wait3A_196 = arith.constant 0 : i32
    %dma_wait3A_197 = tpu.memref_slice %arg17[%add3A_193, %dma_wait3A_196] : memref<10240x8xf32, #tpu.memory_space<vmem_shared>> -> memref<64x8xf32, #tpu.memory_space<vmem_shared>>
    tpu.wait_dma2 semaphore(%arg21 : memref<!tpu.dma_semaphore, #tpu.memory_space<semaphore_mem>>) src(%arg15 : memref<64x8xf32, #tpu.memory_space<vmem>>) dst(%dma_wait3A_197 : memref<64x8xf32, #tpu.memory_space<vmem_shared>>)
    %add3A_198 = arith.constant 320 : i32
    %add3A_199 = arith.addi %mul3A_11, %add3A_198 : i32
    %dma_wait3A_200 = arith.constant 0 : i32
    %dma_wait3A_201 = tpu.memref_slice %arg16[%add3A_199, %dma_wait3A_200] : memref<10240x128xf32, #tpu.memory_space<vmem_shared>> -> memref<64x128xf32, #tpu.memory_space<vmem_shared>>
    %dma_wait3A_202 = arith.constant 0 : i32
    %dma_wait3A_203 = tpu.memref_slice %arg16[%add3A_199, %dma_wait3A_202] : memref<10240x128xf32, #tpu.memory_space<vmem_shared>> -> memref<64x128xf32, #tpu.memory_space<vmem_shared>>
    tpu.wait_dma2 semaphore(%arg20 : memref<!tpu.dma_semaphore, #tpu.memory_space<semaphore_mem>>) src(%arg12 : memref<64x128xf32, #tpu.memory_space<vmem>>) dst(%dma_wait3A_203 : memref<64x128xf32, #tpu.memory_space<vmem_shared>>)
    %add3A_204 = arith.constant 320 : i32
    %add3A_205 = arith.addi %mul3A_11, %add3A_204 : i32
    %dma_wait3A_206 = arith.constant 0 : i32
    %dma_wait3A_207 = tpu.memref_slice %arg17[%add3A_205, %dma_wait3A_206] : memref<10240x8xf32, #tpu.memory_space<vmem_shared>> -> memref<64x8xf32, #tpu.memory_space<vmem_shared>>
    %dma_wait3A_208 = arith.constant 0 : i32
    %dma_wait3A_209 = tpu.memref_slice %arg17[%add3A_205, %dma_wait3A_208] : memref<10240x8xf32, #tpu.memory_space<vmem_shared>> -> memref<64x8xf32, #tpu.memory_space<vmem_shared>>
    tpu.wait_dma2 semaphore(%arg21 : memref<!tpu.dma_semaphore, #tpu.memory_space<semaphore_mem>>) src(%arg15 : memref<64x8xf32, #tpu.memory_space<vmem>>) dst(%dma_wait3A_209 : memref<64x8xf32, #tpu.memory_space<vmem_shared>>)
    %add3A_210 = arith.constant 384 : i32
    %add3A_211 = arith.addi %mul3A_11, %add3A_210 : i32
    %dma_wait3A_212 = arith.constant 0 : i32
    %dma_wait3A_213 = tpu.memref_slice %arg16[%add3A_211, %dma_wait3A_212] : memref<10240x128xf32, #tpu.memory_space<vmem_shared>> -> memref<64x128xf32, #tpu.memory_space<vmem_shared>>
    %dma_wait3A_214 = arith.constant 0 : i32
    %dma_wait3A_215 = tpu.memref_slice %arg16[%add3A_211, %dma_wait3A_214] : memref<10240x128xf32, #tpu.memory_space<vmem_shared>> -> memref<64x128xf32, #tpu.memory_space<vmem_shared>>
    tpu.wait_dma2 semaphore(%arg20 : memref<!tpu.dma_semaphore, #tpu.memory_space<semaphore_mem>>) src(%arg12 : memref<64x128xf32, #tpu.memory_space<vmem>>) dst(%dma_wait3A_215 : memref<64x128xf32, #tpu.memory_space<vmem_shared>>)
    %add3A_216 = arith.constant 384 : i32
    %add3A_217 = arith.addi %mul3A_11, %add3A_216 : i32
    %dma_wait3A_218 = arith.constant 0 : i32
    %dma_wait3A_219 = tpu.memref_slice %arg17[%add3A_217, %dma_wait3A_218] : memref<10240x8xf32, #tpu.memory_space<vmem_shared>> -> memref<64x8xf32, #tpu.memory_space<vmem_shared>>
    %dma_wait3A_220 = arith.constant 0 : i32
    %dma_wait3A_221 = tpu.memref_slice %arg17[%add3A_217, %dma_wait3A_220] : memref<10240x8xf32, #tpu.memory_space<vmem_shared>> -> memref<64x8xf32, #tpu.memory_space<vmem_shared>>
    tpu.wait_dma2 semaphore(%arg21 : memref<!tpu.dma_semaphore, #tpu.memory_space<semaphore_mem>>) src(%arg15 : memref<64x8xf32, #tpu.memory_space<vmem>>) dst(%dma_wait3A_221 : memref<64x8xf32, #tpu.memory_space<vmem_shared>>)
    %add3A_222 = arith.constant 448 : i32
    %add3A_223 = arith.addi %mul3A_11, %add3A_222 : i32
    %dma_wait3A_224 = arith.constant 0 : i32
    %dma_wait3A_225 = tpu.memref_slice %arg16[%add3A_223, %dma_wait3A_224] : memref<10240x128xf32, #tpu.memory_space<vmem_shared>> -> memref<64x128xf32, #tpu.memory_space<vmem_shared>>
    %dma_wait3A_226 = arith.constant 0 : i32
    %dma_wait3A_227 = tpu.memref_slice %arg16[%add3A_223, %dma_wait3A_226] : memref<10240x128xf32, #tpu.memory_space<vmem_shared>> -> memref<64x128xf32, #tpu.memory_space<vmem_shared>>
    tpu.wait_dma2 semaphore(%arg20 : memref<!tpu.dma_semaphore, #tpu.memory_space<semaphore_mem>>) src(%arg12 : memref<64x128xf32, #tpu.memory_space<vmem>>) dst(%dma_wait3A_227 : memref<64x128xf32, #tpu.memory_space<vmem_shared>>)
    %add3A_228 = arith.constant 448 : i32
    %add3A_229 = arith.addi %mul3A_11, %add3A_228 : i32
    %dma_wait3A_230 = arith.constant 0 : i32
    %dma_wait3A_231 = tpu.memref_slice %arg17[%add3A_229, %dma_wait3A_230] : memref<10240x8xf32, #tpu.memory_space<vmem_shared>> -> memref<64x8xf32, #tpu.memory_space<vmem_shared>>
    %dma_wait3A_232 = arith.constant 0 : i32
    %dma_wait3A_233 = tpu.memref_slice %arg17[%add3A_229, %dma_wait3A_232] : memref<10240x8xf32, #tpu.memory_space<vmem_shared>> -> memref<64x8xf32, #tpu.memory_space<vmem_shared>>
    tpu.wait_dma2 semaphore(%arg21 : memref<!tpu.dma_semaphore, #tpu.memory_space<semaphore_mem>>) src(%arg15 : memref<64x8xf32, #tpu.memory_space<vmem>>) dst(%dma_wait3A_233 : memref<64x8xf32, #tpu.memory_space<vmem_shared>>)
    %add3A_234 = arith.constant 512 : i32
    %add3A_235 = arith.addi %mul3A_11, %add3A_234 : i32
    %dma_wait3A_236 = arith.constant 0 : i32
    %dma_wait3A_237 = tpu.memref_slice %arg16[%add3A_235, %dma_wait3A_236] : memref<10240x128xf32, #tpu.memory_space<vmem_shared>> -> memref<64x128xf32, #tpu.memory_space<vmem_shared>>
    %dma_wait3A_238 = arith.constant 0 : i32
    %dma_wait3A_239 = tpu.memref_slice %arg16[%add3A_235, %dma_wait3A_238] : memref<10240x128xf32, #tpu.memory_space<vmem_shared>> -> memref<64x128xf32, #tpu.memory_space<vmem_shared>>
    tpu.wait_dma2 semaphore(%arg20 : memref<!tpu.dma_semaphore, #tpu.memory_space<semaphore_mem>>) src(%arg12 : memref<64x128xf32, #tpu.memory_space<vmem>>) dst(%dma_wait3A_239 : memref<64x128xf32, #tpu.memory_space<vmem_shared>>)
    %add3A_240 = arith.constant 512 : i32
    %add3A_241 = arith.addi %mul3A_11, %add3A_240 : i32
    %dma_wait3A_242 = arith.constant 0 : i32
    %dma_wait3A_243 = tpu.memref_slice %arg17[%add3A_241, %dma_wait3A_242] : memref<10240x8xf32, #tpu.memory_space<vmem_shared>> -> memref<64x8xf32, #tpu.memory_space<vmem_shared>>
    %dma_wait3A_244 = arith.constant 0 : i32
    %dma_wait3A_245 = tpu.memref_slice %arg17[%add3A_241, %dma_wait3A_244] : memref<10240x8xf32, #tpu.memory_space<vmem_shared>> -> memref<64x8xf32, #tpu.memory_space<vmem_shared>>
    tpu.wait_dma2 semaphore(%arg21 : memref<!tpu.dma_semaphore, #tpu.memory_space<semaphore_mem>>) src(%arg15 : memref<64x8xf32, #tpu.memory_space<vmem>>) dst(%dma_wait3A_245 : memref<64x8xf32, #tpu.memory_space<vmem_shared>>)
    %add3A_246 = arith.constant 576 : i32
    %add3A_247 = arith.addi %mul3A_11, %add3A_246 : i32
    %dma_wait3A_248 = arith.constant 0 : i32
    %dma_wait3A_249 = tpu.memref_slice %arg16[%add3A_247, %dma_wait3A_248] : memref<10240x128xf32, #tpu.memory_space<vmem_shared>> -> memref<64x128xf32, #tpu.memory_space<vmem_shared>>
    %dma_wait3A_250 = arith.constant 0 : i32
    %dma_wait3A_251 = tpu.memref_slice %arg16[%add3A_247, %dma_wait3A_250] : memref<10240x128xf32, #tpu.memory_space<vmem_shared>> -> memref<64x128xf32, #tpu.memory_space<vmem_shared>>
    tpu.wait_dma2 semaphore(%arg20 : memref<!tpu.dma_semaphore, #tpu.memory_space<semaphore_mem>>) src(%arg12 : memref<64x128xf32, #tpu.memory_space<vmem>>) dst(%dma_wait3A_251 : memref<64x128xf32, #tpu.memory_space<vmem_shared>>)
    %add3A_252 = arith.constant 576 : i32
    %add3A_253 = arith.addi %mul3A_11, %add3A_252 : i32
    %dma_wait3A_254 = arith.constant 0 : i32
    %dma_wait3A_255 = tpu.memref_slice %arg17[%add3A_253, %dma_wait3A_254] : memref<10240x8xf32, #tpu.memory_space<vmem_shared>> -> memref<64x8xf32, #tpu.memory_space<vmem_shared>>
    %dma_wait3A_256 = arith.constant 0 : i32
    %dma_wait3A_257 = tpu.memref_slice %arg17[%add3A_253, %dma_wait3A_256] : memref<10240x8xf32, #tpu.memory_space<vmem_shared>> -> memref<64x8xf32, #tpu.memory_space<vmem_shared>>
    tpu.wait_dma2 semaphore(%arg21 : memref<!tpu.dma_semaphore, #tpu.memory_space<semaphore_mem>>) src(%arg15 : memref<64x8xf32, #tpu.memory_space<vmem>>) dst(%dma_wait3A_257 : memref<64x8xf32, #tpu.memory_space<vmem_shared>>)
    %dma_wait3A_258 = arith.constant 0 : i32
    %dma_wait3A_259 = tpu.memref_slice %arg3[%select_n3A, %dma_wait3A_258] : memref<5110x64xi32, #tpu.memory_space<hbm>> -> memref<200x64xi32, #tpu.memory_space<hbm>>
    %dma_wait3A_260 = arith.constant 0 : i32
    %dma_wait3A_261 = tpu.memref_slice %arg3[%select_n3A, %dma_wait3A_260] : memref<5110x64xi32, #tpu.memory_space<hbm>> -> memref<200x64xi32, #tpu.memory_space<hbm>>
    tpu.wait_dma2 semaphore(%arg18 : memref<!tpu.dma_semaphore, #tpu.memory_space<semaphore_mem>>) src(%dma_wait3A_261 : memref<200x64xi32, #tpu.memory_space<hbm>>) dst(%arg10 : memref<200x64xi32, #tpu.memory_space<vmem>>)
    %dma_wait3A_262 = arith.constant 0 : i32
    %dma_wait3A_263 = tpu.memref_slice %arg4[%select_n3A, %dma_wait3A_262] : memref<5110x64xi32, #tpu.memory_space<hbm>> -> memref<200x64xi32, #tpu.memory_space<hbm>>
    %dma_wait3A_264 = arith.constant 0 : i32
    %dma_wait3A_265 = tpu.memref_slice %arg4[%select_n3A, %dma_wait3A_264] : memref<5110x64xi32, #tpu.memory_space<hbm>> -> memref<200x64xi32, #tpu.memory_space<hbm>>
    tpu.wait_dma2 semaphore(%arg19 : memref<!tpu.dma_semaphore, #tpu.memory_space<semaphore_mem>>) src(%dma_wait3A_265 : memref<200x64xi32, #tpu.memory_space<hbm>>) dst(%arg11 : memref<200x64xi32, #tpu.memory_space<vmem>>)
    tpu.wait_dma2 semaphore(%arg22 : memref<!tpu.dma_semaphore, #tpu.memory_space<semaphore_mem>>) src(%arg7 : memref<64x8xf32, #tpu.memory_space<hbm>>) dst(%arg14 : memref<64x8xf32, #tpu.memory_space<vmem>>)
    %barrier3A = arith.constant 0 : index
    tpu.barrier barrier_id(%barrier3A)
    %dma_start3A_266 = arith.constant 0 : i32
    %dma_start3A_267 = arith.constant 0 : i32
    %dma_start3A_268 = arith.constant 0 : i32
    %dma_start3A_269 = tpu.memref_slice %arg12[%dma_start3A_267, %dma_start3A_268] : memref<64x128xf32, #tpu.memory_space<vmem>> -> memref<32x128xf32, #tpu.memory_space<vmem>>
    %dma_start3A_270 = arith.constant 0 : i32
    %dma_start3A_271 = tpu.memref_slice %arg10[%dma_start3A_266, %dma_start3A_270] : memref<200x64xi32, #tpu.memory_space<vmem>> -> memref<1x32xi32, #tpu.memory_space<vmem>>
    %dma_start3A_272 = tpu.memref_squeeze %dma_start3A_271 : memref<1x32xi32, #tpu.memory_space<vmem>> -> memref<32xi32, #tpu.memory_space<vmem>>
    %dma_start3A_273 = arith.constant 0 : i32
    %dma_start3A_274 = arith.constant 0 : i32
    %dma_start3A_275 = tpu.memref_slice %arg2[%dma_start3A_273, %dma_start3A_274] : memref<10000x128xf32, #tpu.memory_space<hbm>> -> memref<10000x128xf32, #tpu.memory_space<hbm>>
    tpu.enqueue_indirect_dma source(%dma_start3A_275 : memref<10000x128xf32, #tpu.memory_space<hbm>>) target(%dma_start3A_269 : memref<32x128xf32, #tpu.memory_space<vmem>>) offsets(%dma_start3A_272 : memref<32xi32, #tpu.memory_space<vmem>>) semaphore(%arg18 : memref<!tpu.dma_semaphore, #tpu.memory_space<semaphore_mem>>)
    %dma_start3A_276 = arith.constant 0 : i32
    %dma_start3A_277 = arith.constant 32 : i32
    %dma_start3A_278 = arith.constant 0 : i32
    %dma_start3A_279 = tpu.memref_slice %arg12[%dma_start3A_277, %dma_start3A_278] : memref<64x128xf32, #tpu.memory_space<vmem>> -> memref<32x128xf32, #tpu.memory_space<vmem>>
    %dma_start3A_280 = arith.constant 32 : i32
    %dma_start3A_281 = tpu.memref_slice %arg10[%dma_start3A_276, %dma_start3A_280] : memref<200x64xi32, #tpu.memory_space<vmem>> -> memref<1x32xi32, #tpu.memory_space<vmem>>
    %dma_start3A_282 = tpu.memref_squeeze %dma_start3A_281 : memref<1x32xi32, #tpu.memory_space<vmem>> -> memref<32xi32, #tpu.memory_space<vmem>>
    %dma_start3A_283 = arith.constant 0 : i32
    %dma_start3A_284 = arith.constant 0 : i32
    %dma_start3A_285 = tpu.memref_slice %arg2[%dma_start3A_283, %dma_start3A_284] : memref<10000x128xf32, #tpu.memory_space<hbm>> -> memref<10000x128xf32, #tpu.memory_space<hbm>>
    tpu.enqueue_indirect_dma source(%dma_start3A_285 : memref<10000x128xf32, #tpu.memory_space<hbm>>) target(%dma_start3A_279 : memref<32x128xf32, #tpu.memory_space<vmem>>) offsets(%dma_start3A_282 : memref<32xi32, #tpu.memory_space<vmem>>) semaphore(%arg18 : memref<!tpu.dma_semaphore, #tpu.memory_space<semaphore_mem>>)
    %while3A = arith.constant 0 : i32
    %while3A_286 = arith.constant 0 : i32
    %while3A_287 = arith.subi %select_n3A_9, %while3A_286 : i32
    %while3A_288 = arith.addi %while3A_286, %while3A_287 : i32
    %while3A_289 = arith.constant 1 : i32
    %while3A_290 = arith.divsi %while3A_287, %while3A_289 : i32
    %while3A_291 = arith.muli %while3A_290, %while3A_289 : i32
    %while3A_292 = arith.addi %while3A_286, %while3A_291 : i32
    %while3A_293 = arith.constant 1 : i32
    scf.for %while3A_656 = %while3A_286 to %while3A_292 step %while3A_293  : i32 {
      %mul3A_657 = arith.constant 2 : i32
      %mul3A_658 = arith.muli %mul3A_657, %while3A_656 : i32
      %add3A_659 = arith.constant 1 : i32
      %add3A_660 = arith.addi %mul3A_658, %add3A_659 : i32
      %dma_wait3A_661 = arith.constant 0 : i32
      %dma_wait3A_662 = arith.constant 0 : i32
      %dma_wait3A_663 = tpu.memref_slice %arg12[%dma_wait3A_661, %dma_wait3A_662] : memref<64x128xf32, #tpu.memory_space<vmem>> -> memref<32x128xf32, #tpu.memory_space<vmem>>
      %dma_wait3A_664 = arith.constant 0 : i32
      %dma_wait3A_665 = tpu.memref_slice %arg10[%mul3A_658, %dma_wait3A_664] : memref<200x64xi32, #tpu.memory_space<vmem>> -> memref<1x32xi32, #tpu.memory_space<vmem>>
      %dma_wait3A_666 = tpu.memref_squeeze %dma_wait3A_665 : memref<1x32xi32, #tpu.memory_space<vmem>> -> memref<32xi32, #tpu.memory_space<vmem>>
      %dma_wait3A_667 = arith.constant 0 : i32
      %dma_wait3A_668 = arith.constant 0 : i32
      %dma_wait3A_669 = tpu.memref_slice %arg2[%dma_wait3A_667, %dma_wait3A_668] : memref<10000x128xf32, #tpu.memory_space<hbm>> -> memref<10000x128xf32, #tpu.memory_space<hbm>>
      tpu.wait_indirect_dma semaphore(%arg18 : memref<!tpu.dma_semaphore, #tpu.memory_space<semaphore_mem>>) src(%dma_wait3A_669 : memref<10000x128xf32, #tpu.memory_space<hbm>>) dst(%dma_wait3A_663 : memref<32x128xf32, #tpu.memory_space<vmem>>)
      %dma_wait3A_670 = arith.constant 32 : i32
      %dma_wait3A_671 = arith.constant 0 : i32
      %dma_wait3A_672 = tpu.memref_slice %arg12[%dma_wait3A_670, %dma_wait3A_671] : memref<64x128xf32, #tpu.memory_space<vmem>> -> memref<32x128xf32, #tpu.memory_space<vmem>>
      %dma_wait3A_673 = arith.constant 32 : i32
      %dma_wait3A_674 = tpu.memref_slice %arg10[%mul3A_658, %dma_wait3A_673] : memref<200x64xi32, #tpu.memory_space<vmem>> -> memref<1x32xi32, #tpu.memory_space<vmem>>
      %dma_wait3A_675 = tpu.memref_squeeze %dma_wait3A_674 : memref<1x32xi32, #tpu.memory_space<vmem>> -> memref<32xi32, #tpu.memory_space<vmem>>
      %dma_wait3A_676 = arith.constant 0 : i32
      %dma_wait3A_677 = arith.constant 0 : i32
      %dma_wait3A_678 = tpu.memref_slice %arg2[%dma_wait3A_676, %dma_wait3A_677] : memref<10000x128xf32, #tpu.memory_space<hbm>> -> memref<10000x128xf32, #tpu.memory_space<hbm>>
      tpu.wait_indirect_dma semaphore(%arg18 : memref<!tpu.dma_semaphore, #tpu.memory_space<semaphore_mem>>) src(%dma_wait3A_678 : memref<10000x128xf32, #tpu.memory_space<hbm>>) dst(%dma_wait3A_672 : memref<32x128xf32, #tpu.memory_space<vmem>>)
      %dma_start3A_679 = arith.constant 0 : i32
      %dma_start3A_680 = tpu.memref_slice %arg11[%mul3A_658, %dma_start3A_679] : memref<200x64xi32, #tpu.memory_space<vmem>> -> memref<1x64xi32, #tpu.memory_space<vmem>>
      %dma_start3A_681 = tpu.memref_squeeze %dma_start3A_680 : memref<1x64xi32, #tpu.memory_space<vmem>> -> memref<64xi32, #tpu.memory_space<vmem>>
      %dma_start3A_682 = arith.constant 0 : i32
      %dma_start3A_683 = arith.constant 0 : i32
      %dma_start3A_684 = tpu.memref_slice %arg16[%dma_start3A_682, %dma_start3A_683] : memref<10240x128xf32, #tpu.memory_space<vmem_shared>> -> memref<10240x128xf32, #tpu.memory_space<vmem_shared>>
      tpu.enqueue_indirect_dma source(%arg12 : memref<64x128xf32, #tpu.memory_space<vmem>>) target(%dma_start3A_684 : memref<10240x128xf32, #tpu.memory_space<vmem_shared>>) offsets(%dma_start3A_681 : memref<64xi32, #tpu.memory_space<vmem>>) semaphore(%arg20 : memref<!tpu.dma_semaphore, #tpu.memory_space<semaphore_mem>>) {add = true}
      %dma_start3A_685 = arith.constant 0 : i32
      %dma_start3A_686 = tpu.memref_slice %arg11[%mul3A_658, %dma_start3A_685] : memref<200x64xi32, #tpu.memory_space<vmem>> -> memref<1x64xi32, #tpu.memory_space<vmem>>
      %dma_start3A_687 = tpu.memref_squeeze %dma_start3A_686 : memref<1x64xi32, #tpu.memory_space<vmem>> -> memref<64xi32, #tpu.memory_space<vmem>>
      %dma_start3A_688 = arith.constant 0 : i32
      %dma_start3A_689 = arith.constant 0 : i32
      %dma_start3A_690 = tpu.memref_slice %arg17[%dma_start3A_688, %dma_start3A_689] : memref<10240x8xf32, #tpu.memory_space<vmem_shared>> -> memref<10240x8xf32, #tpu.memory_space<vmem_shared>>
      tpu.enqueue_indirect_dma source(%arg14 : memref<64x8xf32, #tpu.memory_space<vmem>>) target(%dma_start3A_690 : memref<10240x8xf32, #tpu.memory_space<vmem_shared>>) offsets(%dma_start3A_687 : memref<64xi32, #tpu.memory_space<vmem>>) semaphore(%arg22 : memref<!tpu.dma_semaphore, #tpu.memory_space<semaphore_mem>>) {add = true}
      %dma_start3A_691 = arith.constant 0 : i32
      %dma_start3A_692 = arith.constant 0 : i32
      %dma_start3A_693 = tpu.memref_slice %arg13[%dma_start3A_691, %dma_start3A_692] : memref<64x128xf32, #tpu.memory_space<vmem>> -> memref<32x128xf32, #tpu.memory_space<vmem>>
      %dma_start3A_694 = arith.constant 0 : i32
      %dma_start3A_695 = tpu.memref_slice %arg10[%add3A_660, %dma_start3A_694] : memref<200x64xi32, #tpu.memory_space<vmem>> -> memref<1x32xi32, #tpu.memory_space<vmem>>
      %dma_start3A_696 = tpu.memref_squeeze %dma_start3A_695 : memref<1x32xi32, #tpu.memory_space<vmem>> -> memref<32xi32, #tpu.memory_space<vmem>>
      %dma_start3A_697 = arith.constant 0 : i32
      %dma_start3A_698 = arith.constant 0 : i32
      %dma_start3A_699 = tpu.memref_slice %arg2[%dma_start3A_697, %dma_start3A_698] : memref<10000x128xf32, #tpu.memory_space<hbm>> -> memref<10000x128xf32, #tpu.memory_space<hbm>>
      tpu.enqueue_indirect_dma source(%dma_start3A_699 : memref<10000x128xf32, #tpu.memory_space<hbm>>) target(%dma_start3A_693 : memref<32x128xf32, #tpu.memory_space<vmem>>) offsets(%dma_start3A_696 : memref<32xi32, #tpu.memory_space<vmem>>) semaphore(%arg19 : memref<!tpu.dma_semaphore, #tpu.memory_space<semaphore_mem>>)
      %dma_start3A_700 = arith.constant 32 : i32
      %dma_start3A_701 = arith.constant 0 : i32
      %dma_start3A_702 = tpu.memref_slice %arg13[%dma_start3A_700, %dma_start3A_701] : memref<64x128xf32, #tpu.memory_space<vmem>> -> memref<32x128xf32, #tpu.memory_space<vmem>>
      %dma_start3A_703 = arith.constant 32 : i32
      %dma_start3A_704 = tpu.memref_slice %arg10[%add3A_660, %dma_start3A_703] : memref<200x64xi32, #tpu.memory_space<vmem>> -> memref<1x32xi32, #tpu.memory_space<vmem>>
      %dma_start3A_705 = tpu.memref_squeeze %dma_start3A_704 : memref<1x32xi32, #tpu.memory_space<vmem>> -> memref<32xi32, #tpu.memory_space<vmem>>
      %dma_start3A_706 = arith.constant 0 : i32
      %dma_start3A_707 = arith.constant 0 : i32
      %dma_start3A_708 = tpu.memref_slice %arg2[%dma_start3A_706, %dma_start3A_707] : memref<10000x128xf32, #tpu.memory_space<hbm>> -> memref<10000x128xf32, #tpu.memory_space<hbm>>
      tpu.enqueue_indirect_dma source(%dma_start3A_708 : memref<10000x128xf32, #tpu.memory_space<hbm>>) target(%dma_start3A_702 : memref<32x128xf32, #tpu.memory_space<vmem>>) offsets(%dma_start3A_705 : memref<32xi32, #tpu.memory_space<vmem>>) semaphore(%arg19 : memref<!tpu.dma_semaphore, #tpu.memory_space<semaphore_mem>>)
      %dma_wait3A_709 = arith.constant 0 : i32
      %dma_wait3A_710 = arith.constant 0 : i32
      %dma_wait3A_711 = tpu.memref_slice %arg13[%dma_wait3A_709, %dma_wait3A_710] : memref<64x128xf32, #tpu.memory_space<vmem>> -> memref<32x128xf32, #tpu.memory_space<vmem>>
      %dma_wait3A_712 = arith.constant 0 : i32
      %dma_wait3A_713 = tpu.memref_slice %arg10[%add3A_660, %dma_wait3A_712] : memref<200x64xi32, #tpu.memory_space<vmem>> -> memref<1x32xi32, #tpu.memory_space<vmem>>
      %dma_wait3A_714 = tpu.memref_squeeze %dma_wait3A_713 : memref<1x32xi32, #tpu.memory_space<vmem>> -> memref<32xi32, #tpu.memory_space<vmem>>
      %dma_wait3A_715 = arith.constant 0 : i32
      %dma_wait3A_716 = arith.constant 0 : i32
      %dma_wait3A_717 = tpu.memref_slice %arg2[%dma_wait3A_715, %dma_wait3A_716] : memref<10000x128xf32, #tpu.memory_space<hbm>> -> memref<10000x128xf32, #tpu.memory_space<hbm>>
      tpu.wait_indirect_dma semaphore(%arg19 : memref<!tpu.dma_semaphore, #tpu.memory_space<semaphore_mem>>) src(%dma_wait3A_717 : memref<10000x128xf32, #tpu.memory_space<hbm>>) dst(%dma_wait3A_711 : memref<32x128xf32, #tpu.memory_space<vmem>>)
      %dma_wait3A_718 = arith.constant 32 : i32
      %dma_wait3A_719 = arith.constant 0 : i32
      %dma_wait3A_720 = tpu.memref_slice %arg13[%dma_wait3A_718, %dma_wait3A_719] : memref<64x128xf32, #tpu.memory_space<vmem>> -> memref<32x128xf32, #tpu.memory_space<vmem>>
      %dma_wait3A_721 = arith.constant 32 : i32
      %dma_wait3A_722 = tpu.memref_slice %arg10[%add3A_660, %dma_wait3A_721] : memref<200x64xi32, #tpu.memory_space<vmem>> -> memref<1x32xi32, #tpu.memory_space<vmem>>
      %dma_wait3A_723 = tpu.memref_squeeze %dma_wait3A_722 : memref<1x32xi32, #tpu.memory_space<vmem>> -> memref<32xi32, #tpu.memory_space<vmem>>
      %dma_wait3A_724 = arith.constant 0 : i32
      %dma_wait3A_725 = arith.constant 0 : i32
      %dma_wait3A_726 = tpu.memref_slice %arg2[%dma_wait3A_724, %dma_wait3A_725] : memref<10000x128xf32, #tpu.memory_space<hbm>> -> memref<10000x128xf32, #tpu.memory_space<hbm>>
      tpu.wait_indirect_dma semaphore(%arg19 : memref<!tpu.dma_semaphore, #tpu.memory_space<semaphore_mem>>) src(%dma_wait3A_726 : memref<10000x128xf32, #tpu.memory_space<hbm>>) dst(%dma_wait3A_720 : memref<32x128xf32, #tpu.memory_space<vmem>>)
      %dma_start3A_727 = arith.constant 0 : i32
      %dma_start3A_728 = tpu.memref_slice %arg11[%add3A_660, %dma_start3A_727] : memref<200x64xi32, #tpu.memory_space<vmem>> -> memref<1x64xi32, #tpu.memory_space<vmem>>
      %dma_start3A_729 = tpu.memref_squeeze %dma_start3A_728 : memref<1x64xi32, #tpu.memory_space<vmem>> -> memref<64xi32, #tpu.memory_space<vmem>>
      %dma_start3A_730 = arith.constant 0 : i32
      %dma_start3A_731 = arith.constant 0 : i32
      %dma_start3A_732 = tpu.memref_slice %arg16[%dma_start3A_730, %dma_start3A_731] : memref<10240x128xf32, #tpu.memory_space<vmem_shared>> -> memref<10240x128xf32, #tpu.memory_space<vmem_shared>>
      tpu.enqueue_indirect_dma source(%arg13 : memref<64x128xf32, #tpu.memory_space<vmem>>) target(%dma_start3A_732 : memref<10240x128xf32, #tpu.memory_space<vmem_shared>>) offsets(%dma_start3A_729 : memref<64xi32, #tpu.memory_space<vmem>>) semaphore(%arg21 : memref<!tpu.dma_semaphore, #tpu.memory_space<semaphore_mem>>) {add = true}
      %dma_start3A_733 = arith.constant 0 : i32
      %dma_start3A_734 = tpu.memref_slice %arg11[%add3A_660, %dma_start3A_733] : memref<200x64xi32, #tpu.memory_space<vmem>> -> memref<1x64xi32, #tpu.memory_space<vmem>>
      %dma_start3A_735 = tpu.memref_squeeze %dma_start3A_734 : memref<1x64xi32, #tpu.memory_space<vmem>> -> memref<64xi32, #tpu.memory_space<vmem>>
      %dma_start3A_736 = arith.constant 0 : i32
      %dma_start3A_737 = arith.constant 0 : i32
      %dma_start3A_738 = tpu.memref_slice %arg17[%dma_start3A_736, %dma_start3A_737] : memref<10240x8xf32, #tpu.memory_space<vmem_shared>> -> memref<10240x8xf32, #tpu.memory_space<vmem_shared>>
      tpu.enqueue_indirect_dma source(%arg14 : memref<64x8xf32, #tpu.memory_space<vmem>>) target(%dma_start3A_738 : memref<10240x8xf32, #tpu.memory_space<vmem_shared>>) offsets(%dma_start3A_735 : memref<64xi32, #tpu.memory_space<vmem>>) semaphore(%arg23 : memref<!tpu.dma_semaphore, #tpu.memory_space<semaphore_mem>>) {add = true}
      %dma_wait3A_739 = arith.constant 0 : i32
      %dma_wait3A_740 = tpu.memref_slice %arg11[%mul3A_658, %dma_wait3A_739] : memref<200x64xi32, #tpu.memory_space<vmem>> -> memref<1x64xi32, #tpu.memory_space<vmem>>
      %dma_wait3A_741 = tpu.memref_squeeze %dma_wait3A_740 : memref<1x64xi32, #tpu.memory_space<vmem>> -> memref<64xi32, #tpu.memory_space<vmem>>
      %dma_wait3A_742 = arith.constant 0 : i32
      %dma_wait3A_743 = arith.constant 0 : i32
      %dma_wait3A_744 = tpu.memref_slice %arg16[%dma_wait3A_742, %dma_wait3A_743] : memref<10240x128xf32, #tpu.memory_space<vmem_shared>> -> memref<10240x128xf32, #tpu.memory_space<vmem_shared>>
      tpu.wait_indirect_dma semaphore(%arg20 : memref<!tpu.dma_semaphore, #tpu.memory_space<semaphore_mem>>) src(%arg12 : memref<64x128xf32, #tpu.memory_space<vmem>>) dst(%dma_wait3A_744 : memref<10240x128xf32, #tpu.memory_space<vmem_shared>>)
      %dma_wait3A_745 = arith.constant 0 : i32
      %dma_wait3A_746 = tpu.memref_slice %arg11[%mul3A_658, %dma_wait3A_745] : memref<200x64xi32, #tpu.memory_space<vmem>> -> memref<1x64xi32, #tpu.memory_space<vmem>>
      %dma_wait3A_747 = tpu.memref_squeeze %dma_wait3A_746 : memref<1x64xi32, #tpu.memory_space<vmem>> -> memref<64xi32, #tpu.memory_space<vmem>>
      %dma_wait3A_748 = arith.constant 0 : i32
      %dma_wait3A_749 = arith.constant 0 : i32
      %dma_wait3A_750 = tpu.memref_slice %arg17[%dma_wait3A_748, %dma_wait3A_749] : memref<10240x8xf32, #tpu.memory_space<vmem_shared>> -> memref<10240x8xf32, #tpu.memory_space<vmem_shared>>
      tpu.wait_indirect_dma semaphore(%arg22 : memref<!tpu.dma_semaphore, #tpu.memory_space<semaphore_mem>>) src(%arg14 : memref<64x8xf32, #tpu.memory_space<vmem>>) dst(%dma_wait3A_750 : memref<10240x8xf32, #tpu.memory_space<vmem_shared>>)
      %sub3A = arith.constant 1 : i32
      %sub3A_751 = arith.subi %select_n3A_9, %sub3A : i32
      %lt3A = arith.cmpi slt, %while3A_656, %sub3A_751 : i32
      %convert_element_type3A = arith.extui %lt3A : i1 to i32
      %cond3A = arith.constant 0 : i32
      %cond3A_752 = arith.cmpi ne, %convert_element_type3A, %cond3A : i32
      scf.if %cond3A_752 {
        %add3A_765 = arith.constant 2 : i32
        %add3A_766 = arith.addi %mul3A_658, %add3A_765 : i32
        %dma_start3A_767 = arith.constant 0 : i32
        %dma_start3A_768 = arith.constant 0 : i32
        %dma_start3A_769 = tpu.memref_slice %arg12[%dma_start3A_767, %dma_start3A_768] : memref<64x128xf32, #tpu.memory_space<vmem>> -> memref<32x128xf32, #tpu.memory_space<vmem>>
        %dma_start3A_770 = arith.constant 0 : i32
        %dma_start3A_771 = tpu.memref_slice %arg10[%add3A_766, %dma_start3A_770] : memref<200x64xi32, #tpu.memory_space<vmem>> -> memref<1x32xi32, #tpu.memory_space<vmem>>
        %dma_start3A_772 = tpu.memref_squeeze %dma_start3A_771 : memref<1x32xi32, #tpu.memory_space<vmem>> -> memref<32xi32, #tpu.memory_space<vmem>>
        %dma_start3A_773 = arith.constant 0 : i32
        %dma_start3A_774 = arith.constant 0 : i32
        %dma_start3A_775 = tpu.memref_slice %arg2[%dma_start3A_773, %dma_start3A_774] : memref<10000x128xf32, #tpu.memory_space<hbm>> -> memref<10000x128xf32, #tpu.memory_space<hbm>>
        tpu.enqueue_indirect_dma source(%dma_start3A_775 : memref<10000x128xf32, #tpu.memory_space<hbm>>) target(%dma_start3A_769 : memref<32x128xf32, #tpu.memory_space<vmem>>) offsets(%dma_start3A_772 : memref<32xi32, #tpu.memory_space<vmem>>) semaphore(%arg18 : memref<!tpu.dma_semaphore, #tpu.memory_space<semaphore_mem>>)
        %dma_start3A_776 = arith.constant 32 : i32
        %dma_start3A_777 = arith.constant 0 : i32
        %dma_start3A_778 = tpu.memref_slice %arg12[%dma_start3A_776, %dma_start3A_777] : memref<64x128xf32, #tpu.memory_space<vmem>> -> memref<32x128xf32, #tpu.memory_space<vmem>>
        %dma_start3A_779 = arith.constant 32 : i32
        %dma_start3A_780 = tpu.memref_slice %arg10[%add3A_766, %dma_start3A_779] : memref<200x64xi32, #tpu.memory_space<vmem>> -> memref<1x32xi32, #tpu.memory_space<vmem>>
        %dma_start3A_781 = tpu.memref_squeeze %dma_start3A_780 : memref<1x32xi32, #tpu.memory_space<vmem>> -> memref<32xi32, #tpu.memory_space<vmem>>
        %dma_start3A_782 = arith.constant 0 : i32
        %dma_start3A_783 = arith.constant 0 : i32
        %dma_start3A_784 = tpu.memref_slice %arg2[%dma_start3A_782, %dma_start3A_783] : memref<10000x128xf32, #tpu.memory_space<hbm>> -> memref<10000x128xf32, #tpu.memory_space<hbm>>
        tpu.enqueue_indirect_dma source(%dma_start3A_784 : memref<10000x128xf32, #tpu.memory_space<hbm>>) target(%dma_start3A_778 : memref<32x128xf32, #tpu.memory_space<vmem>>) offsets(%dma_start3A_781 : memref<32xi32, #tpu.memory_space<vmem>>) semaphore(%arg18 : memref<!tpu.dma_semaphore, #tpu.memory_space<semaphore_mem>>)
      } else {
      }
      %dma_wait3A_753 = arith.constant 0 : i32
      %dma_wait3A_754 = tpu.memref_slice %arg11[%add3A_660, %dma_wait3A_753] : memref<200x64xi32, #tpu.memory_space<vmem>> -> memref<1x64xi32, #tpu.memory_space<vmem>>
      %dma_wait3A_755 = tpu.memref_squeeze %dma_wait3A_754 : memref<1x64xi32, #tpu.memory_space<vmem>> -> memref<64xi32, #tpu.memory_space<vmem>>
      %dma_wait3A_756 = arith.constant 0 : i32
      %dma_wait3A_757 = arith.constant 0 : i32
      %dma_wait3A_758 = tpu.memref_slice %arg16[%dma_wait3A_756, %dma_wait3A_757] : memref<10240x128xf32, #tpu.memory_space<vmem_shared>> -> memref<10240x128xf32, #tpu.memory_space<vmem_shared>>
      tpu.wait_indirect_dma semaphore(%arg21 : memref<!tpu.dma_semaphore, #tpu.memory_space<semaphore_mem>>) src(%arg13 : memref<64x128xf32, #tpu.memory_space<vmem>>) dst(%dma_wait3A_758 : memref<10240x128xf32, #tpu.memory_space<vmem_shared>>)
      %dma_wait3A_759 = arith.constant 0 : i32
      %dma_wait3A_760 = tpu.memref_slice %arg11[%add3A_660, %dma_wait3A_759] : memref<200x64xi32, #tpu.memory_space<vmem>> -> memref<1x64xi32, #tpu.memory_space<vmem>>
      %dma_wait3A_761 = tpu.memref_squeeze %dma_wait3A_760 : memref<1x64xi32, #tpu.memory_space<vmem>> -> memref<64xi32, #tpu.memory_space<vmem>>
      %dma_wait3A_762 = arith.constant 0 : i32
      %dma_wait3A_763 = arith.constant 0 : i32
      %dma_wait3A_764 = tpu.memref_slice %arg17[%dma_wait3A_762, %dma_wait3A_763] : memref<10240x8xf32, #tpu.memory_space<vmem_shared>> -> memref<10240x8xf32, #tpu.memory_space<vmem_shared>>
      tpu.wait_indirect_dma semaphore(%arg23 : memref<!tpu.dma_semaphore, #tpu.memory_space<semaphore_mem>>) src(%arg14 : memref<64x8xf32, #tpu.memory_space<vmem>>) dst(%dma_wait3A_764 : memref<10240x8xf32, #tpu.memory_space<vmem_shared>>)
    }
    %while3A_294 = arith.constant 1 : i32
    scf.for %while3A_656 = %while3A_292 to %while3A_288 step %while3A_294  : i32 {
      %mul3A_657 = arith.constant 2 : i32
      %mul3A_658 = arith.muli %mul3A_657, %while3A_656 : i32
      %add3A_659 = arith.constant 1 : i32
      %add3A_660 = arith.addi %mul3A_658, %add3A_659 : i32
      %dma_wait3A_661 = arith.constant 0 : i32
      %dma_wait3A_662 = arith.constant 0 : i32
      %dma_wait3A_663 = tpu.memref_slice %arg12[%dma_wait3A_661, %dma_wait3A_662] : memref<64x128xf32, #tpu.memory_space<vmem>> -> memref<32x128xf32, #tpu.memory_space<vmem>>
      %dma_wait3A_664 = arith.constant 0 : i32
      %dma_wait3A_665 = tpu.memref_slice %arg10[%mul3A_658, %dma_wait3A_664] : memref<200x64xi32, #tpu.memory_space<vmem>> -> memref<1x32xi32, #tpu.memory_space<vmem>>
      %dma_wait3A_666 = tpu.memref_squeeze %dma_wait3A_665 : memref<1x32xi32, #tpu.memory_space<vmem>> -> memref<32xi32, #tpu.memory_space<vmem>>
      %dma_wait3A_667 = arith.constant 0 : i32
      %dma_wait3A_668 = arith.constant 0 : i32
      %dma_wait3A_669 = tpu.memref_slice %arg2[%dma_wait3A_667, %dma_wait3A_668] : memref<10000x128xf32, #tpu.memory_space<hbm>> -> memref<10000x128xf32, #tpu.memory_space<hbm>>
      tpu.wait_indirect_dma semaphore(%arg18 : memref<!tpu.dma_semaphore, #tpu.memory_space<semaphore_mem>>) src(%dma_wait3A_669 : memref<10000x128xf32, #tpu.memory_space<hbm>>) dst(%dma_wait3A_663 : memref<32x128xf32, #tpu.memory_space<vmem>>)
      %dma_wait3A_670 = arith.constant 32 : i32
      %dma_wait3A_671 = arith.constant 0 : i32
      %dma_wait3A_672 = tpu.memref_slice %arg12[%dma_wait3A_670, %dma_wait3A_671] : memref<64x128xf32, #tpu.memory_space<vmem>> -> memref<32x128xf32, #tpu.memory_space<vmem>>
      %dma_wait3A_673 = arith.constant 32 : i32
      %dma_wait3A_674 = tpu.memref_slice %arg10[%mul3A_658, %dma_wait3A_673] : memref<200x64xi32, #tpu.memory_space<vmem>> -> memref<1x32xi32, #tpu.memory_space<vmem>>
      %dma_wait3A_675 = tpu.memref_squeeze %dma_wait3A_674 : memref<1x32xi32, #tpu.memory_space<vmem>> -> memref<32xi32, #tpu.memory_space<vmem>>
      %dma_wait3A_676 = arith.constant 0 : i32
      %dma_wait3A_677 = arith.constant 0 : i32
      %dma_wait3A_678 = tpu.memref_slice %arg2[%dma_wait3A_676, %dma_wait3A_677] : memref<10000x128xf32, #tpu.memory_space<hbm>> -> memref<10000x128xf32, #tpu.memory_space<hbm>>
      tpu.wait_indirect_dma semaphore(%arg18 : memref<!tpu.dma_semaphore, #tpu.memory_space<semaphore_mem>>) src(%dma_wait3A_678 : memref<10000x128xf32, #tpu.memory_space<hbm>>) dst(%dma_wait3A_672 : memref<32x128xf32, #tpu.memory_space<vmem>>)
      %dma_start3A_679 = arith.constant 0 : i32
      %dma_start3A_680 = tpu.memref_slice %arg11[%mul3A_658, %dma_start3A_679] : memref<200x64xi32, #tpu.memory_space<vmem>> -> memref<1x64xi32, #tpu.memory_space<vmem>>
      %dma_start3A_681 = tpu.memref_squeeze %dma_start3A_680 : memref<1x64xi32, #tpu.memory_space<vmem>> -> memref<64xi32, #tpu.memory_space<vmem>>
      %dma_start3A_682 = arith.constant 0 : i32
      %dma_start3A_683 = arith.constant 0 : i32
      %dma_start3A_684 = tpu.memref_slice %arg16[%dma_start3A_682, %dma_start3A_683] : memref<10240x128xf32, #tpu.memory_space<vmem_shared>> -> memref<10240x128xf32, #tpu.memory_space<vmem_shared>>
      tpu.enqueue_indirect_dma source(%arg12 : memref<64x128xf32, #tpu.memory_space<vmem>>) target(%dma_start3A_684 : memref<10240x128xf32, #tpu.memory_space<vmem_shared>>) offsets(%dma_start3A_681 : memref<64xi32, #tpu.memory_space<vmem>>) semaphore(%arg20 : memref<!tpu.dma_semaphore, #tpu.memory_space<semaphore_mem>>) {add = true}
      %dma_start3A_685 = arith.constant 0 : i32
      %dma_start3A_686 = tpu.memref_slice %arg11[%mul3A_658, %dma_start3A_685] : memref<200x64xi32, #tpu.memory_space<vmem>> -> memref<1x64xi32, #tpu.memory_space<vmem>>
      %dma_start3A_687 = tpu.memref_squeeze %dma_start3A_686 : memref<1x64xi32, #tpu.memory_space<vmem>> -> memref<64xi32, #tpu.memory_space<vmem>>
      %dma_start3A_688 = arith.constant 0 : i32
      %dma_start3A_689 = arith.constant 0 : i32
      %dma_start3A_690 = tpu.memref_slice %arg17[%dma_start3A_688, %dma_start3A_689] : memref<10240x8xf32, #tpu.memory_space<vmem_shared>> -> memref<10240x8xf32, #tpu.memory_space<vmem_shared>>
      tpu.enqueue_indirect_dma source(%arg14 : memref<64x8xf32, #tpu.memory_space<vmem>>) target(%dma_start3A_690 : memref<10240x8xf32, #tpu.memory_space<vmem_shared>>) offsets(%dma_start3A_687 : memref<64xi32, #tpu.memory_space<vmem>>) semaphore(%arg22 : memref<!tpu.dma_semaphore, #tpu.memory_space<semaphore_mem>>) {add = true}
      %dma_start3A_691 = arith.constant 0 : i32
      %dma_start3A_692 = arith.constant 0 : i32
      %dma_start3A_693 = tpu.memref_slice %arg13[%dma_start3A_691, %dma_start3A_692] : memref<64x128xf32, #tpu.memory_space<vmem>> -> memref<32x128xf32, #tpu.memory_space<vmem>>
      %dma_start3A_694 = arith.constant 0 : i32
      %dma_start3A_695 = tpu.memref_slice %arg10[%add3A_660, %dma_start3A_694] : memref<200x64xi32, #tpu.memory_space<vmem>> -> memref<1x32xi32, #tpu.memory_space<vmem>>
      %dma_start3A_696 = tpu.memref_squeeze %dma_start3A_695 : memref<1x32xi32, #tpu.memory_space<vmem>> -> memref<32xi32, #tpu.memory_space<vmem>>
      %dma_start3A_697 = arith.constant 0 : i32
      %dma_start3A_698 = arith.constant 0 : i32
      %dma_start3A_699 = tpu.memref_slice %arg2[%dma_start3A_697, %dma_start3A_698] : memref<10000x128xf32, #tpu.memory_space<hbm>> -> memref<10000x128xf32, #tpu.memory_space<hbm>>
      tpu.enqueue_indirect_dma source(%dma_start3A_699 : memref<10000x128xf32, #tpu.memory_space<hbm>>) target(%dma_start3A_693 : memref<32x128xf32, #tpu.memory_space<vmem>>) offsets(%dma_start3A_696 : memref<32xi32, #tpu.memory_space<vmem>>) semaphore(%arg19 : memref<!tpu.dma_semaphore, #tpu.memory_space<semaphore_mem>>)
      %dma_start3A_700 = arith.constant 32 : i32
      %dma_start3A_701 = arith.constant 0 : i32
      %dma_start3A_702 = tpu.memref_slice %arg13[%dma_start3A_700, %dma_start3A_701] : memref<64x128xf32, #tpu.memory_space<vmem>> -> memref<32x128xf32, #tpu.memory_space<vmem>>
      %dma_start3A_703 = arith.constant 32 : i32
      %dma_start3A_704 = tpu.memref_slice %arg10[%add3A_660, %dma_start3A_703] : memref<200x64xi32, #tpu.memory_space<vmem>> -> memref<1x32xi32, #tpu.memory_space<vmem>>
      %dma_start3A_705 = tpu.memref_squeeze %dma_start3A_704 : memref<1x32xi32, #tpu.memory_space<vmem>> -> memref<32xi32, #tpu.memory_space<vmem>>
      %dma_start3A_706 = arith.constant 0 : i32
      %dma_start3A_707 = arith.constant 0 : i32
      %dma_start3A_708 = tpu.memref_slice %arg2[%dma_start3A_706, %dma_start3A_707] : memref<10000x128xf32, #tpu.memory_space<hbm>> -> memref<10000x128xf32, #tpu.memory_space<hbm>>
      tpu.enqueue_indirect_dma source(%dma_start3A_708 : memref<10000x128xf32, #tpu.memory_space<hbm>>) target(%dma_start3A_702 : memref<32x128xf32, #tpu.memory_space<vmem>>) offsets(%dma_start3A_705 : memref<32xi32, #tpu.memory_space<vmem>>) semaphore(%arg19 : memref<!tpu.dma_semaphore, #tpu.memory_space<semaphore_mem>>)
      %dma_wait3A_709 = arith.constant 0 : i32
      %dma_wait3A_710 = arith.constant 0 : i32
      %dma_wait3A_711 = tpu.memref_slice %arg13[%dma_wait3A_709, %dma_wait3A_710] : memref<64x128xf32, #tpu.memory_space<vmem>> -> memref<32x128xf32, #tpu.memory_space<vmem>>
      %dma_wait3A_712 = arith.constant 0 : i32
      %dma_wait3A_713 = tpu.memref_slice %arg10[%add3A_660, %dma_wait3A_712] : memref<200x64xi32, #tpu.memory_space<vmem>> -> memref<1x32xi32, #tpu.memory_space<vmem>>
      %dma_wait3A_714 = tpu.memref_squeeze %dma_wait3A_713 : memref<1x32xi32, #tpu.memory_space<vmem>> -> memref<32xi32, #tpu.memory_space<vmem>>
      %dma_wait3A_715 = arith.constant 0 : i32
      %dma_wait3A_716 = arith.constant 0 : i32
      %dma_wait3A_717 = tpu.memref_slice %arg2[%dma_wait3A_715, %dma_wait3A_716] : memref<10000x128xf32, #tpu.memory_space<hbm>> -> memref<10000x128xf32, #tpu.memory_space<hbm>>
      tpu.wait_indirect_dma semaphore(%arg19 : memref<!tpu.dma_semaphore, #tpu.memory_space<semaphore_mem>>) src(%dma_wait3A_717 : memref<10000x128xf32, #tpu.memory_space<hbm>>) dst(%dma_wait3A_711 : memref<32x128xf32, #tpu.memory_space<vmem>>)
      %dma_wait3A_718 = arith.constant 32 : i32
      %dma_wait3A_719 = arith.constant 0 : i32
      %dma_wait3A_720 = tpu.memref_slice %arg13[%dma_wait3A_718, %dma_wait3A_719] : memref<64x128xf32, #tpu.memory_space<vmem>> -> memref<32x128xf32, #tpu.memory_space<vmem>>
      %dma_wait3A_721 = arith.constant 32 : i32
      %dma_wait3A_722 = tpu.memref_slice %arg10[%add3A_660, %dma_wait3A_721] : memref<200x64xi32, #tpu.memory_space<vmem>> -> memref<1x32xi32, #tpu.memory_space<vmem>>
      %dma_wait3A_723 = tpu.memref_squeeze %dma_wait3A_722 : memref<1x32xi32, #tpu.memory_space<vmem>> -> memref<32xi32, #tpu.memory_space<vmem>>
      %dma_wait3A_724 = arith.constant 0 : i32
      %dma_wait3A_725 = arith.constant 0 : i32
      %dma_wait3A_726 = tpu.memref_slice %arg2[%dma_wait3A_724, %dma_wait3A_725] : memref<10000x128xf32, #tpu.memory_space<hbm>> -> memref<10000x128xf32, #tpu.memory_space<hbm>>
      tpu.wait_indirect_dma semaphore(%arg19 : memref<!tpu.dma_semaphore, #tpu.memory_space<semaphore_mem>>) src(%dma_wait3A_726 : memref<10000x128xf32, #tpu.memory_space<hbm>>) dst(%dma_wait3A_720 : memref<32x128xf32, #tpu.memory_space<vmem>>)
      %dma_start3A_727 = arith.constant 0 : i32
      %dma_start3A_728 = tpu.memref_slice %arg11[%add3A_660, %dma_start3A_727] : memref<200x64xi32, #tpu.memory_space<vmem>> -> memref<1x64xi32, #tpu.memory_space<vmem>>
      %dma_start3A_729 = tpu.memref_squeeze %dma_start3A_728 : memref<1x64xi32, #tpu.memory_space<vmem>> -> memref<64xi32, #tpu.memory_space<vmem>>
      %dma_start3A_730 = arith.constant 0 : i32
      %dma_start3A_731 = arith.constant 0 : i32
      %dma_start3A_732 = tpu.memref_slice %arg16[%dma_start3A_730, %dma_start3A_731] : memref<10240x128xf32, #tpu.memory_space<vmem_shared>> -> memref<10240x128xf32, #tpu.memory_space<vmem_shared>>
      tpu.enqueue_indirect_dma source(%arg13 : memref<64x128xf32, #tpu.memory_space<vmem>>) target(%dma_start3A_732 : memref<10240x128xf32, #tpu.memory_space<vmem_shared>>) offsets(%dma_start3A_729 : memref<64xi32, #tpu.memory_space<vmem>>) semaphore(%arg21 : memref<!tpu.dma_semaphore, #tpu.memory_space<semaphore_mem>>) {add = true}
      %dma_start3A_733 = arith.constant 0 : i32
      %dma_start3A_734 = tpu.memref_slice %arg11[%add3A_660, %dma_start3A_733] : memref<200x64xi32, #tpu.memory_space<vmem>> -> memref<1x64xi32, #tpu.memory_space<vmem>>
      %dma_start3A_735 = tpu.memref_squeeze %dma_start3A_734 : memref<1x64xi32, #tpu.memory_space<vmem>> -> memref<64xi32, #tpu.memory_space<vmem>>
      %dma_start3A_736 = arith.constant 0 : i32
      %dma_start3A_737 = arith.constant 0 : i32
      %dma_start3A_738 = tpu.memref_slice %arg17[%dma_start3A_736, %dma_start3A_737] : memref<10240x8xf32, #tpu.memory_space<vmem_shared>> -> memref<10240x8xf32, #tpu.memory_space<vmem_shared>>
      tpu.enqueue_indirect_dma source(%arg14 : memref<64x8xf32, #tpu.memory_space<vmem>>) target(%dma_start3A_738 : memref<10240x8xf32, #tpu.memory_space<vmem_shared>>) offsets(%dma_start3A_735 : memref<64xi32, #tpu.memory_space<vmem>>) semaphore(%arg23 : memref<!tpu.dma_semaphore, #tpu.memory_space<semaphore_mem>>) {add = true}
      %dma_wait3A_739 = arith.constant 0 : i32
      %dma_wait3A_740 = tpu.memref_slice %arg11[%mul3A_658, %dma_wait3A_739] : memref<200x64xi32, #tpu.memory_space<vmem>> -> memref<1x64xi32, #tpu.memory_space<vmem>>
      %dma_wait3A_741 = tpu.memref_squeeze %dma_wait3A_740 : memref<1x64xi32, #tpu.memory_space<vmem>> -> memref<64xi32, #tpu.memory_space<vmem>>
      %dma_wait3A_742 = arith.constant 0 : i32
      %dma_wait3A_743 = arith.constant 0 : i32
      %dma_wait3A_744 = tpu.memref_slice %arg16[%dma_wait3A_742, %dma_wait3A_743] : memref<10240x128xf32, #tpu.memory_space<vmem_shared>> -> memref<10240x128xf32, #tpu.memory_space<vmem_shared>>
      tpu.wait_indirect_dma semaphore(%arg20 : memref<!tpu.dma_semaphore, #tpu.memory_space<semaphore_mem>>) src(%arg12 : memref<64x128xf32, #tpu.memory_space<vmem>>) dst(%dma_wait3A_744 : memref<10240x128xf32, #tpu.memory_space<vmem_shared>>)
      %dma_wait3A_745 = arith.constant 0 : i32
      %dma_wait3A_746 = tpu.memref_slice %arg11[%mul3A_658, %dma_wait3A_745] : memref<200x64xi32, #tpu.memory_space<vmem>> -> memref<1x64xi32, #tpu.memory_space<vmem>>
      %dma_wait3A_747 = tpu.memref_squeeze %dma_wait3A_746 : memref<1x64xi32, #tpu.memory_space<vmem>> -> memref<64xi32, #tpu.memory_space<vmem>>
      %dma_wait3A_748 = arith.constant 0 : i32
      %dma_wait3A_749 = arith.constant 0 : i32
      %dma_wait3A_750 = tpu.memref_slice %arg17[%dma_wait3A_748, %dma_wait3A_749] : memref<10240x8xf32, #tpu.memory_space<vmem_shared>> -> memref<10240x8xf32, #tpu.memory_space<vmem_shared>>
      tpu.wait_indirect_dma semaphore(%arg22 : memref<!tpu.dma_semaphore, #tpu.memory_space<semaphore_mem>>) src(%arg14 : memref<64x8xf32, #tpu.memory_space<vmem>>) dst(%dma_wait3A_750 : memref<10240x8xf32, #tpu.memory_space<vmem_shared>>)
      %sub3A = arith.constant 1 : i32
      %sub3A_751 = arith.subi %select_n3A_9, %sub3A : i32
      %lt3A = arith.cmpi slt, %while3A_656, %sub3A_751 : i32
      %convert_element_type3A = arith.extui %lt3A : i1 to i32
      %cond3A = arith.constant 0 : i32
      %cond3A_752 = arith.cmpi ne, %convert_element_type3A, %cond3A : i32
      scf.if %cond3A_752 {
        %add3A_765 = arith.constant 2 : i32
        %add3A_766 = arith.addi %mul3A_658, %add3A_765 : i32
        %dma_start3A_767 = arith.constant 0 : i32
        %dma_start3A_768 = arith.constant 0 : i32
        %dma_start3A_769 = tpu.memref_slice %arg12[%dma_start3A_767, %dma_start3A_768] : memref<64x128xf32, #tpu.memory_space<vmem>> -> memref<32x128xf32, #tpu.memory_space<vmem>>
        %dma_start3A_770 = arith.constant 0 : i32
        %dma_start3A_771 = tpu.memref_slice %arg10[%add3A_766, %dma_start3A_770] : memref<200x64xi32, #tpu.memory_space<vmem>> -> memref<1x32xi32, #tpu.memory_space<vmem>>
        %dma_start3A_772 = tpu.memref_squeeze %dma_start3A_771 : memref<1x32xi32, #tpu.memory_space<vmem>> -> memref<32xi32, #tpu.memory_space<vmem>>
        %dma_start3A_773 = arith.constant 0 : i32
        %dma_start3A_774 = arith.constant 0 : i32
        %dma_start3A_775 = tpu.memref_slice %arg2[%dma_start3A_773, %dma_start3A_774] : memref<10000x128xf32, #tpu.memory_space<hbm>> -> memref<10000x128xf32, #tpu.memory_space<hbm>>
        tpu.enqueue_indirect_dma source(%dma_start3A_775 : memref<10000x128xf32, #tpu.memory_space<hbm>>) target(%dma_start3A_769 : memref<32x128xf32, #tpu.memory_space<vmem>>) offsets(%dma_start3A_772 : memref<32xi32, #tpu.memory_space<vmem>>) semaphore(%arg18 : memref<!tpu.dma_semaphore, #tpu.memory_space<semaphore_mem>>)
        %dma_start3A_776 = arith.constant 32 : i32
        %dma_start3A_777 = arith.constant 0 : i32
        %dma_start3A_778 = tpu.memref_slice %arg12[%dma_start3A_776, %dma_start3A_777] : memref<64x128xf32, #tpu.memory_space<vmem>> -> memref<32x128xf32, #tpu.memory_space<vmem>>
        %dma_start3A_779 = arith.constant 32 : i32
        %dma_start3A_780 = tpu.memref_slice %arg10[%add3A_766, %dma_start3A_779] : memref<200x64xi32, #tpu.memory_space<vmem>> -> memref<1x32xi32, #tpu.memory_space<vmem>>
        %dma_start3A_781 = tpu.memref_squeeze %dma_start3A_780 : memref<1x32xi32, #tpu.memory_space<vmem>> -> memref<32xi32, #tpu.memory_space<vmem>>
        %dma_start3A_782 = arith.constant 0 : i32
        %dma_start3A_783 = arith.constant 0 : i32
        %dma_start3A_784 = tpu.memref_slice %arg2[%dma_start3A_782, %dma_start3A_783] : memref<10000x128xf32, #tpu.memory_space<hbm>> -> memref<10000x128xf32, #tpu.memory_space<hbm>>
        tpu.enqueue_indirect_dma source(%dma_start3A_784 : memref<10000x128xf32, #tpu.memory_space<hbm>>) target(%dma_start3A_778 : memref<32x128xf32, #tpu.memory_space<vmem>>) offsets(%dma_start3A_781 : memref<32xi32, #tpu.memory_space<vmem>>) semaphore(%arg18 : memref<!tpu.dma_semaphore, #tpu.memory_space<semaphore_mem>>)
      } else {
      }
      %dma_wait3A_753 = arith.constant 0 : i32
      %dma_wait3A_754 = tpu.memref_slice %arg11[%add3A_660, %dma_wait3A_753] : memref<200x64xi32, #tpu.memory_space<vmem>> -> memref<1x64xi32, #tpu.memory_space<vmem>>
      %dma_wait3A_755 = tpu.memref_squeeze %dma_wait3A_754 : memref<1x64xi32, #tpu.memory_space<vmem>> -> memref<64xi32, #tpu.memory_space<vmem>>
      %dma_wait3A_756 = arith.constant 0 : i32
      %dma_wait3A_757 = arith.constant 0 : i32
      %dma_wait3A_758 = tpu.memref_slice %arg16[%dma_wait3A_756, %dma_wait3A_757] : memref<10240x128xf32, #tpu.memory_space<vmem_shared>> -> memref<10240x128xf32, #tpu.memory_space<vmem_shared>>
      tpu.wait_indirect_dma semaphore(%arg21 : memref<!tpu.dma_semaphore, #tpu.memory_space<semaphore_mem>>) src(%arg13 : memref<64x128xf32, #tpu.memory_space<vmem>>) dst(%dma_wait3A_758 : memref<10240x128xf32, #tpu.memory_space<vmem_shared>>)
      %dma_wait3A_759 = arith.constant 0 : i32
      %dma_wait3A_760 = tpu.memref_slice %arg11[%add3A_660, %dma_wait3A_759] : memref<200x64xi32, #tpu.memory_space<vmem>> -> memref<1x64xi32, #tpu.memory_space<vmem>>
      %dma_wait3A_761 = tpu.memref_squeeze %dma_wait3A_760 : memref<1x64xi32, #tpu.memory_space<vmem>> -> memref<64xi32, #tpu.memory_space<vmem>>
      %dma_wait3A_762 = arith.constant 0 : i32
      %dma_wait3A_763 = arith.constant 0 : i32
      %dma_wait3A_764 = tpu.memref_slice %arg17[%dma_wait3A_762, %dma_wait3A_763] : memref<10240x8xf32, #tpu.memory_space<vmem_shared>> -> memref<10240x8xf32, #tpu.memory_space<vmem_shared>>
      tpu.wait_indirect_dma semaphore(%arg23 : memref<!tpu.dma_semaphore, #tpu.memory_space<semaphore_mem>>) src(%arg14 : memref<64x8xf32, #tpu.memory_space<vmem>>) dst(%dma_wait3A_764 : memref<10240x8xf32, #tpu.memory_space<vmem_shared>>)
    }
    %barrier3A_295 = arith.constant 0 : index
    tpu.barrier barrier_id(%barrier3A_295)
    %add3A_296 = arith.constant 0 : i32
    %add3A_297 = arith.addi %mul3A_11, %add3A_296 : i32
    %add3A_298 = arith.constant 0 : i32
    %add3A_299 = arith.addi %mul3A_11, %add3A_298 : i32
    %dma_start3A_300 = arith.constant 0 : i32
    %dma_start3A_301 = tpu.memref_slice %arg8[%arg0, %add3A_299, %dma_start3A_300] : memref<2x10240x128xf32, #tpu.memory_space<hbm>> -> memref<1x64x128xf32, #tpu.memory_space<hbm>>
    %dma_start3A_302 = tpu.memref_squeeze %dma_start3A_301 : memref<1x64x128xf32, #tpu.memory_space<hbm>> -> memref<64x128xf32, #tpu.memory_space<hbm>>
    %dma_start3A_303 = arith.constant 0 : i32
    %dma_start3A_304 = tpu.memref_slice %arg16[%add3A_297, %dma_start3A_303] : memref<10240x128xf32, #tpu.memory_space<vmem_shared>> -> memref<64x128xf32, #tpu.memory_space<vmem_shared>>
    tpu.enqueue_dma source(%dma_start3A_304 : memref<64x128xf32, #tpu.memory_space<vmem_shared>>) target(%dma_start3A_302 : memref<64x128xf32, #tpu.memory_space<hbm>>) target_semaphore(%arg20 : memref<!tpu.dma_semaphore, #tpu.memory_space<semaphore_mem>>)
    %add3A_305 = arith.constant 0 : i32
    %add3A_306 = arith.addi %mul3A_11, %add3A_305 : i32
    %add3A_307 = arith.constant 0 : i32
    %add3A_308 = arith.addi %mul3A_11, %add3A_307 : i32
    %dma_start3A_309 = arith.constant 0 : i32
    %dma_start3A_310 = tpu.memref_slice %arg9[%arg0, %add3A_308, %dma_start3A_309] : memref<2x10240x8xf32, #tpu.memory_space<hbm>> -> memref<1x64x8xf32, #tpu.memory_space<hbm>>
    %dma_start3A_311 = tpu.memref_squeeze %dma_start3A_310 : memref<1x64x8xf32, #tpu.memory_space<hbm>> -> memref<64x8xf32, #tpu.memory_space<hbm>>
    %dma_start3A_312 = arith.constant 0 : i32
    %dma_start3A_313 = tpu.memref_slice %arg17[%add3A_306, %dma_start3A_312] : memref<10240x8xf32, #tpu.memory_space<vmem_shared>> -> memref<64x8xf32, #tpu.memory_space<vmem_shared>>
    tpu.enqueue_dma source(%dma_start3A_313 : memref<64x8xf32, #tpu.memory_space<vmem_shared>>) target(%dma_start3A_311 : memref<64x8xf32, #tpu.memory_space<hbm>>) target_semaphore(%arg21 : memref<!tpu.dma_semaphore, #tpu.memory_space<semaphore_mem>>)
    %add3A_314 = arith.constant 64 : i32
    %add3A_315 = arith.addi %mul3A_11, %add3A_314 : i32
    %add3A_316 = arith.constant 64 : i32
    %add3A_317 = arith.addi %mul3A_11, %add3A_316 : i32
    %dma_start3A_318 = arith.constant 0 : i32
    %dma_start3A_319 = tpu.memref_slice %arg8[%arg0, %add3A_317, %dma_start3A_318] : memref<2x10240x128xf32, #tpu.memory_space<hbm>> -> memref<1x64x128xf32, #tpu.memory_space<hbm>>
    %dma_start3A_320 = tpu.memref_squeeze %dma_start3A_319 : memref<1x64x128xf32, #tpu.memory_space<hbm>> -> memref<64x128xf32, #tpu.memory_space<hbm>>
    %dma_start3A_321 = arith.constant 0 : i32
    %dma_start3A_322 = tpu.memref_slice %arg16[%add3A_315, %dma_start3A_321] : memref<10240x128xf32, #tpu.memory_space<vmem_shared>> -> memref<64x128xf32, #tpu.memory_space<vmem_shared>>
    tpu.enqueue_dma source(%dma_start3A_322 : memref<64x128xf32, #tpu.memory_space<vmem_shared>>) target(%dma_start3A_320 : memref<64x128xf32, #tpu.memory_space<hbm>>) target_semaphore(%arg20 : memref<!tpu.dma_semaphore, #tpu.memory_space<semaphore_mem>>)
    %add3A_323 = arith.constant 64 : i32
    %add3A_324 = arith.addi %mul3A_11, %add3A_323 : i32
    %add3A_325 = arith.constant 64 : i32
    %add3A_326 = arith.addi %mul3A_11, %add3A_325 : i32
    %dma_start3A_327 = arith.constant 0 : i32
    %dma_start3A_328 = tpu.memref_slice %arg9[%arg0, %add3A_326, %dma_start3A_327] : memref<2x10240x8xf32, #tpu.memory_space<hbm>> -> memref<1x64x8xf32, #tpu.memory_space<hbm>>
    %dma_start3A_329 = tpu.memref_squeeze %dma_start3A_328 : memref<1x64x8xf32, #tpu.memory_space<hbm>> -> memref<64x8xf32, #tpu.memory_space<hbm>>
    %dma_start3A_330 = arith.constant 0 : i32
    %dma_start3A_331 = tpu.memref_slice %arg17[%add3A_324, %dma_start3A_330] : memref<10240x8xf32, #tpu.memory_space<vmem_shared>> -> memref<64x8xf32, #tpu.memory_space<vmem_shared>>
    tpu.enqueue_dma source(%dma_start3A_331 : memref<64x8xf32, #tpu.memory_space<vmem_shared>>) target(%dma_start3A_329 : memref<64x8xf32, #tpu.memory_space<hbm>>) target_semaphore(%arg21 : memref<!tpu.dma_semaphore, #tpu.memory_space<semaphore_mem>>)
    %add3A_332 = arith.constant 128 : i32
    %add3A_333 = arith.addi %mul3A_11, %add3A_332 : i32
    %add3A_334 = arith.constant 128 : i32
    %add3A_335 = arith.addi %mul3A_11, %add3A_334 : i32
    %dma_start3A_336 = arith.constant 0 : i32
    %dma_start3A_337 = tpu.memref_slice %arg8[%arg0, %add3A_335, %dma_start3A_336] : memref<2x10240x128xf32, #tpu.memory_space<hbm>> -> memref<1x64x128xf32, #tpu.memory_space<hbm>>
    %dma_start3A_338 = tpu.memref_squeeze %dma_start3A_337 : memref<1x64x128xf32, #tpu.memory_space<hbm>> -> memref<64x128xf32, #tpu.memory_space<hbm>>
    %dma_start3A_339 = arith.constant 0 : i32
    %dma_start3A_340 = tpu.memref_slice %arg16[%add3A_333, %dma_start3A_339] : memref<10240x128xf32, #tpu.memory_space<vmem_shared>> -> memref<64x128xf32, #tpu.memory_space<vmem_shared>>
    tpu.enqueue_dma source(%dma_start3A_340 : memref<64x128xf32, #tpu.memory_space<vmem_shared>>) target(%dma_start3A_338 : memref<64x128xf32, #tpu.memory_space<hbm>>) target_semaphore(%arg20 : memref<!tpu.dma_semaphore, #tpu.memory_space<semaphore_mem>>)
    %add3A_341 = arith.constant 128 : i32
    %add3A_342 = arith.addi %mul3A_11, %add3A_341 : i32
    %add3A_343 = arith.constant 128 : i32
    %add3A_344 = arith.addi %mul3A_11, %add3A_343 : i32
    %dma_start3A_345 = arith.constant 0 : i32
    %dma_start3A_346 = tpu.memref_slice %arg9[%arg0, %add3A_344, %dma_start3A_345] : memref<2x10240x8xf32, #tpu.memory_space<hbm>> -> memref<1x64x8xf32, #tpu.memory_space<hbm>>
    %dma_start3A_347 = tpu.memref_squeeze %dma_start3A_346 : memref<1x64x8xf32, #tpu.memory_space<hbm>> -> memref<64x8xf32, #tpu.memory_space<hbm>>
    %dma_start3A_348 = arith.constant 0 : i32
    %dma_start3A_349 = tpu.memref_slice %arg17[%add3A_342, %dma_start3A_348] : memref<10240x8xf32, #tpu.memory_space<vmem_shared>> -> memref<64x8xf32, #tpu.memory_space<vmem_shared>>
    tpu.enqueue_dma source(%dma_start3A_349 : memref<64x8xf32, #tpu.memory_space<vmem_shared>>) target(%dma_start3A_347 : memref<64x8xf32, #tpu.memory_space<hbm>>) target_semaphore(%arg21 : memref<!tpu.dma_semaphore, #tpu.memory_space<semaphore_mem>>)
    %add3A_350 = arith.constant 192 : i32
    %add3A_351 = arith.addi %mul3A_11, %add3A_350 : i32
    %add3A_352 = arith.constant 192 : i32
    %add3A_353 = arith.addi %mul3A_11, %add3A_352 : i32
    %dma_start3A_354 = arith.constant 0 : i32
    %dma_start3A_355 = tpu.memref_slice %arg8[%arg0, %add3A_353, %dma_start3A_354] : memref<2x10240x128xf32, #tpu.memory_space<hbm>> -> memref<1x64x128xf32, #tpu.memory_space<hbm>>
    %dma_start3A_356 = tpu.memref_squeeze %dma_start3A_355 : memref<1x64x128xf32, #tpu.memory_space<hbm>> -> memref<64x128xf32, #tpu.memory_space<hbm>>
    %dma_start3A_357 = arith.constant 0 : i32
    %dma_start3A_358 = tpu.memref_slice %arg16[%add3A_351, %dma_start3A_357] : memref<10240x128xf32, #tpu.memory_space<vmem_shared>> -> memref<64x128xf32, #tpu.memory_space<vmem_shared>>
    tpu.enqueue_dma source(%dma_start3A_358 : memref<64x128xf32, #tpu.memory_space<vmem_shared>>) target(%dma_start3A_356 : memref<64x128xf32, #tpu.memory_space<hbm>>) target_semaphore(%arg20 : memref<!tpu.dma_semaphore, #tpu.memory_space<semaphore_mem>>)
    %add3A_359 = arith.constant 192 : i32
    %add3A_360 = arith.addi %mul3A_11, %add3A_359 : i32
    %add3A_361 = arith.constant 192 : i32
    %add3A_362 = arith.addi %mul3A_11, %add3A_361 : i32
    %dma_start3A_363 = arith.constant 0 : i32
    %dma_start3A_364 = tpu.memref_slice %arg9[%arg0, %add3A_362, %dma_start3A_363] : memref<2x10240x8xf32, #tpu.memory_space<hbm>> -> memref<1x64x8xf32, #tpu.memory_space<hbm>>
    %dma_start3A_365 = tpu.memref_squeeze %dma_start3A_364 : memref<1x64x8xf32, #tpu.memory_space<hbm>> -> memref<64x8xf32, #tpu.memory_space<hbm>>
    %dma_start3A_366 = arith.constant 0 : i32
    %dma_start3A_367 = tpu.memref_slice %arg17[%add3A_360, %dma_start3A_366] : memref<10240x8xf32, #tpu.memory_space<vmem_shared>> -> memref<64x8xf32, #tpu.memory_space<vmem_shared>>
    tpu.enqueue_dma source(%dma_start3A_367 : memref<64x8xf32, #tpu.memory_space<vmem_shared>>) target(%dma_start3A_365 : memref<64x8xf32, #tpu.memory_space<hbm>>) target_semaphore(%arg21 : memref<!tpu.dma_semaphore, #tpu.memory_space<semaphore_mem>>)
    %add3A_368 = arith.constant 256 : i32
    %add3A_369 = arith.addi %mul3A_11, %add3A_368 : i32
    %add3A_370 = arith.constant 256 : i32
    %add3A_371 = arith.addi %mul3A_11, %add3A_370 : i32
    %dma_start3A_372 = arith.constant 0 : i32
    %dma_start3A_373 = tpu.memref_slice %arg8[%arg0, %add3A_371, %dma_start3A_372] : memref<2x10240x128xf32, #tpu.memory_space<hbm>> -> memref<1x64x128xf32, #tpu.memory_space<hbm>>
    %dma_start3A_374 = tpu.memref_squeeze %dma_start3A_373 : memref<1x64x128xf32, #tpu.memory_space<hbm>> -> memref<64x128xf32, #tpu.memory_space<hbm>>
    %dma_start3A_375 = arith.constant 0 : i32
    %dma_start3A_376 = tpu.memref_slice %arg16[%add3A_369, %dma_start3A_375] : memref<10240x128xf32, #tpu.memory_space<vmem_shared>> -> memref<64x128xf32, #tpu.memory_space<vmem_shared>>
    tpu.enqueue_dma source(%dma_start3A_376 : memref<64x128xf32, #tpu.memory_space<vmem_shared>>) target(%dma_start3A_374 : memref<64x128xf32, #tpu.memory_space<hbm>>) target_semaphore(%arg20 : memref<!tpu.dma_semaphore, #tpu.memory_space<semaphore_mem>>)
    %add3A_377 = arith.constant 256 : i32
    %add3A_378 = arith.addi %mul3A_11, %add3A_377 : i32
    %add3A_379 = arith.constant 256 : i32
    %add3A_380 = arith.addi %mul3A_11, %add3A_379 : i32
    %dma_start3A_381 = arith.constant 0 : i32
    %dma_start3A_382 = tpu.memref_slice %arg9[%arg0, %add3A_380, %dma_start3A_381] : memref<2x10240x8xf32, #tpu.memory_space<hbm>> -> memref<1x64x8xf32, #tpu.memory_space<hbm>>
    %dma_start3A_383 = tpu.memref_squeeze %dma_start3A_382 : memref<1x64x8xf32, #tpu.memory_space<hbm>> -> memref<64x8xf32, #tpu.memory_space<hbm>>
    %dma_start3A_384 = arith.constant 0 : i32
    %dma_start3A_385 = tpu.memref_slice %arg17[%add3A_378, %dma_start3A_384] : memref<10240x8xf32, #tpu.memory_space<vmem_shared>> -> memref<64x8xf32, #tpu.memory_space<vmem_shared>>
    tpu.enqueue_dma source(%dma_start3A_385 : memref<64x8xf32, #tpu.memory_space<vmem_shared>>) target(%dma_start3A_383 : memref<64x8xf32, #tpu.memory_space<hbm>>) target_semaphore(%arg21 : memref<!tpu.dma_semaphore, #tpu.memory_space<semaphore_mem>>)
    %add3A_386 = arith.constant 320 : i32
    %add3A_387 = arith.addi %mul3A_11, %add3A_386 : i32
    %add3A_388 = arith.constant 320 : i32
    %add3A_389 = arith.addi %mul3A_11, %add3A_388 : i32
    %dma_start3A_390 = arith.constant 0 : i32
    %dma_start3A_391 = tpu.memref_slice %arg8[%arg0, %add3A_389, %dma_start3A_390] : memref<2x10240x128xf32, #tpu.memory_space<hbm>> -> memref<1x64x128xf32, #tpu.memory_space<hbm>>
    %dma_start3A_392 = tpu.memref_squeeze %dma_start3A_391 : memref<1x64x128xf32, #tpu.memory_space<hbm>> -> memref<64x128xf32, #tpu.memory_space<hbm>>
    %dma_start3A_393 = arith.constant 0 : i32
    %dma_start3A_394 = tpu.memref_slice %arg16[%add3A_387, %dma_start3A_393] : memref<10240x128xf32, #tpu.memory_space<vmem_shared>> -> memref<64x128xf32, #tpu.memory_space<vmem_shared>>
    tpu.enqueue_dma source(%dma_start3A_394 : memref<64x128xf32, #tpu.memory_space<vmem_shared>>) target(%dma_start3A_392 : memref<64x128xf32, #tpu.memory_space<hbm>>) target_semaphore(%arg20 : memref<!tpu.dma_semaphore, #tpu.memory_space<semaphore_mem>>)
    %add3A_395 = arith.constant 320 : i32
    %add3A_396 = arith.addi %mul3A_11, %add3A_395 : i32
    %add3A_397 = arith.constant 320 : i32
    %add3A_398 = arith.addi %mul3A_11, %add3A_397 : i32
    %dma_start3A_399 = arith.constant 0 : i32
    %dma_start3A_400 = tpu.memref_slice %arg9[%arg0, %add3A_398, %dma_start3A_399] : memref<2x10240x8xf32, #tpu.memory_space<hbm>> -> memref<1x64x8xf32, #tpu.memory_space<hbm>>
    %dma_start3A_401 = tpu.memref_squeeze %dma_start3A_400 : memref<1x64x8xf32, #tpu.memory_space<hbm>> -> memref<64x8xf32, #tpu.memory_space<hbm>>
    %dma_start3A_402 = arith.constant 0 : i32
    %dma_start3A_403 = tpu.memref_slice %arg17[%add3A_396, %dma_start3A_402] : memref<10240x8xf32, #tpu.memory_space<vmem_shared>> -> memref<64x8xf32, #tpu.memory_space<vmem_shared>>
    tpu.enqueue_dma source(%dma_start3A_403 : memref<64x8xf32, #tpu.memory_space<vmem_shared>>) target(%dma_start3A_401 : memref<64x8xf32, #tpu.memory_space<hbm>>) target_semaphore(%arg21 : memref<!tpu.dma_semaphore, #tpu.memory_space<semaphore_mem>>)
    %add3A_404 = arith.constant 384 : i32
    %add3A_405 = arith.addi %mul3A_11, %add3A_404 : i32
    %add3A_406 = arith.constant 384 : i32
    %add3A_407 = arith.addi %mul3A_11, %add3A_406 : i32
    %dma_start3A_408 = arith.constant 0 : i32
    %dma_start3A_409 = tpu.memref_slice %arg8[%arg0, %add3A_407, %dma_start3A_408] : memref<2x10240x128xf32, #tpu.memory_space<hbm>> -> memref<1x64x128xf32, #tpu.memory_space<hbm>>
    %dma_start3A_410 = tpu.memref_squeeze %dma_start3A_409 : memref<1x64x128xf32, #tpu.memory_space<hbm>> -> memref<64x128xf32, #tpu.memory_space<hbm>>
    %dma_start3A_411 = arith.constant 0 : i32
    %dma_start3A_412 = tpu.memref_slice %arg16[%add3A_405, %dma_start3A_411] : memref<10240x128xf32, #tpu.memory_space<vmem_shared>> -> memref<64x128xf32, #tpu.memory_space<vmem_shared>>
    tpu.enqueue_dma source(%dma_start3A_412 : memref<64x128xf32, #tpu.memory_space<vmem_shared>>) target(%dma_start3A_410 : memref<64x128xf32, #tpu.memory_space<hbm>>) target_semaphore(%arg20 : memref<!tpu.dma_semaphore, #tpu.memory_space<semaphore_mem>>)
    %add3A_413 = arith.constant 384 : i32
    %add3A_414 = arith.addi %mul3A_11, %add3A_413 : i32
    %add3A_415 = arith.constant 384 : i32
    %add3A_416 = arith.addi %mul3A_11, %add3A_415 : i32
    %dma_start3A_417 = arith.constant 0 : i32
    %dma_start3A_418 = tpu.memref_slice %arg9[%arg0, %add3A_416, %dma_start3A_417] : memref<2x10240x8xf32, #tpu.memory_space<hbm>> -> memref<1x64x8xf32, #tpu.memory_space<hbm>>
    %dma_start3A_419 = tpu.memref_squeeze %dma_start3A_418 : memref<1x64x8xf32, #tpu.memory_space<hbm>> -> memref<64x8xf32, #tpu.memory_space<hbm>>
    %dma_start3A_420 = arith.constant 0 : i32
    %dma_start3A_421 = tpu.memref_slice %arg17[%add3A_414, %dma_start3A_420] : memref<10240x8xf32, #tpu.memory_space<vmem_shared>> -> memref<64x8xf32, #tpu.memory_space<vmem_shared>>
    tpu.enqueue_dma source(%dma_start3A_421 : memref<64x8xf32, #tpu.memory_space<vmem_shared>>) target(%dma_start3A_419 : memref<64x8xf32, #tpu.memory_space<hbm>>) target_semaphore(%arg21 : memref<!tpu.dma_semaphore, #tpu.memory_space<semaphore_mem>>)
    %add3A_422 = arith.constant 448 : i32
    %add3A_423 = arith.addi %mul3A_11, %add3A_422 : i32
    %add3A_424 = arith.constant 448 : i32
    %add3A_425 = arith.addi %mul3A_11, %add3A_424 : i32
    %dma_start3A_426 = arith.constant 0 : i32
    %dma_start3A_427 = tpu.memref_slice %arg8[%arg0, %add3A_425, %dma_start3A_426] : memref<2x10240x128xf32, #tpu.memory_space<hbm>> -> memref<1x64x128xf32, #tpu.memory_space<hbm>>
    %dma_start3A_428 = tpu.memref_squeeze %dma_start3A_427 : memref<1x64x128xf32, #tpu.memory_space<hbm>> -> memref<64x128xf32, #tpu.memory_space<hbm>>
    %dma_start3A_429 = arith.constant 0 : i32
    %dma_start3A_430 = tpu.memref_slice %arg16[%add3A_423, %dma_start3A_429] : memref<10240x128xf32, #tpu.memory_space<vmem_shared>> -> memref<64x128xf32, #tpu.memory_space<vmem_shared>>
    tpu.enqueue_dma source(%dma_start3A_430 : memref<64x128xf32, #tpu.memory_space<vmem_shared>>) target(%dma_start3A_428 : memref<64x128xf32, #tpu.memory_space<hbm>>) target_semaphore(%arg20 : memref<!tpu.dma_semaphore, #tpu.memory_space<semaphore_mem>>)
    %add3A_431 = arith.constant 448 : i32
    %add3A_432 = arith.addi %mul3A_11, %add3A_431 : i32
    %add3A_433 = arith.constant 448 : i32
    %add3A_434 = arith.addi %mul3A_11, %add3A_433 : i32
    %dma_start3A_435 = arith.constant 0 : i32
    %dma_start3A_436 = tpu.memref_slice %arg9[%arg0, %add3A_434, %dma_start3A_435] : memref<2x10240x8xf32, #tpu.memory_space<hbm>> -> memref<1x64x8xf32, #tpu.memory_space<hbm>>
    %dma_start3A_437 = tpu.memref_squeeze %dma_start3A_436 : memref<1x64x8xf32, #tpu.memory_space<hbm>> -> memref<64x8xf32, #tpu.memory_space<hbm>>
    %dma_start3A_438 = arith.constant 0 : i32
    %dma_start3A_439 = tpu.memref_slice %arg17[%add3A_432, %dma_start3A_438] : memref<10240x8xf32, #tpu.memory_space<vmem_shared>> -> memref<64x8xf32, #tpu.memory_space<vmem_shared>>
    tpu.enqueue_dma source(%dma_start3A_439 : memref<64x8xf32, #tpu.memory_space<vmem_shared>>) target(%dma_start3A_437 : memref<64x8xf32, #tpu.memory_space<hbm>>) target_semaphore(%arg21 : memref<!tpu.dma_semaphore, #tpu.memory_space<semaphore_mem>>)
    %add3A_440 = arith.constant 512 : i32
    %add3A_441 = arith.addi %mul3A_11, %add3A_440 : i32
    %add3A_442 = arith.constant 512 : i32
    %add3A_443 = arith.addi %mul3A_11, %add3A_442 : i32
    %dma_start3A_444 = arith.constant 0 : i32
    %dma_start3A_445 = tpu.memref_slice %arg8[%arg0, %add3A_443, %dma_start3A_444] : memref<2x10240x128xf32, #tpu.memory_space<hbm>> -> memref<1x64x128xf32, #tpu.memory_space<hbm>>
    %dma_start3A_446 = tpu.memref_squeeze %dma_start3A_445 : memref<1x64x128xf32, #tpu.memory_space<hbm>> -> memref<64x128xf32, #tpu.memory_space<hbm>>
    %dma_start3A_447 = arith.constant 0 : i32
    %dma_start3A_448 = tpu.memref_slice %arg16[%add3A_441, %dma_start3A_447] : memref<10240x128xf32, #tpu.memory_space<vmem_shared>> -> memref<64x128xf32, #tpu.memory_space<vmem_shared>>
    tpu.enqueue_dma source(%dma_start3A_448 : memref<64x128xf32, #tpu.memory_space<vmem_shared>>) target(%dma_start3A_446 : memref<64x128xf32, #tpu.memory_space<hbm>>) target_semaphore(%arg20 : memref<!tpu.dma_semaphore, #tpu.memory_space<semaphore_mem>>)
    %add3A_449 = arith.constant 512 : i32
    %add3A_450 = arith.addi %mul3A_11, %add3A_449 : i32
    %add3A_451 = arith.constant 512 : i32
    %add3A_452 = arith.addi %mul3A_11, %add3A_451 : i32
    %dma_start3A_453 = arith.constant 0 : i32
    %dma_start3A_454 = tpu.memref_slice %arg9[%arg0, %add3A_452, %dma_start3A_453] : memref<2x10240x8xf32, #tpu.memory_space<hbm>> -> memref<1x64x8xf32, #tpu.memory_space<hbm>>
    %dma_start3A_455 = tpu.memref_squeeze %dma_start3A_454 : memref<1x64x8xf32, #tpu.memory_space<hbm>> -> memref<64x8xf32, #tpu.memory_space<hbm>>
    %dma_start3A_456 = arith.constant 0 : i32
    %dma_start3A_457 = tpu.memref_slice %arg17[%add3A_450, %dma_start3A_456] : memref<10240x8xf32, #tpu.memory_space<vmem_shared>> -> memref<64x8xf32, #tpu.memory_space<vmem_shared>>
    tpu.enqueue_dma source(%dma_start3A_457 : memref<64x8xf32, #tpu.memory_space<vmem_shared>>) target(%dma_start3A_455 : memref<64x8xf32, #tpu.memory_space<hbm>>) target_semaphore(%arg21 : memref<!tpu.dma_semaphore, #tpu.memory_space<semaphore_mem>>)
    %add3A_458 = arith.constant 576 : i32
    %add3A_459 = arith.addi %mul3A_11, %add3A_458 : i32
    %add3A_460 = arith.constant 576 : i32
    %add3A_461 = arith.addi %mul3A_11, %add3A_460 : i32
    %dma_start3A_462 = arith.constant 0 : i32
    %dma_start3A_463 = tpu.memref_slice %arg8[%arg0, %add3A_461, %dma_start3A_462] : memref<2x10240x128xf32, #tpu.memory_space<hbm>> -> memref<1x64x128xf32, #tpu.memory_space<hbm>>
    %dma_start3A_464 = tpu.memref_squeeze %dma_start3A_463 : memref<1x64x128xf32, #tpu.memory_space<hbm>> -> memref<64x128xf32, #tpu.memory_space<hbm>>
    %dma_start3A_465 = arith.constant 0 : i32
    %dma_start3A_466 = tpu.memref_slice %arg16[%add3A_459, %dma_start3A_465] : memref<10240x128xf32, #tpu.memory_space<vmem_shared>> -> memref<64x128xf32, #tpu.memory_space<vmem_shared>>
    tpu.enqueue_dma source(%dma_start3A_466 : memref<64x128xf32, #tpu.memory_space<vmem_shared>>) target(%dma_start3A_464 : memref<64x128xf32, #tpu.memory_space<hbm>>) target_semaphore(%arg20 : memref<!tpu.dma_semaphore, #tpu.memory_space<semaphore_mem>>)
    %add3A_467 = arith.constant 576 : i32
    %add3A_468 = arith.addi %mul3A_11, %add3A_467 : i32
    %add3A_469 = arith.constant 576 : i32
    %add3A_470 = arith.addi %mul3A_11, %add3A_469 : i32
    %dma_start3A_471 = arith.constant 0 : i32
    %dma_start3A_472 = tpu.memref_slice %arg9[%arg0, %add3A_470, %dma_start3A_471] : memref<2x10240x8xf32, #tpu.memory_space<hbm>> -> memref<1x64x8xf32, #tpu.memory_space<hbm>>
    %dma_start3A_473 = tpu.memref_squeeze %dma_start3A_472 : memref<1x64x8xf32, #tpu.memory_space<hbm>> -> memref<64x8xf32, #tpu.memory_space<hbm>>
    %dma_start3A_474 = arith.constant 0 : i32
    %dma_start3A_475 = tpu.memref_slice %arg17[%add3A_468, %dma_start3A_474] : memref<10240x8xf32, #tpu.memory_space<vmem_shared>> -> memref<64x8xf32, #tpu.memory_space<vmem_shared>>
    tpu.enqueue_dma source(%dma_start3A_475 : memref<64x8xf32, #tpu.memory_space<vmem_shared>>) target(%dma_start3A_473 : memref<64x8xf32, #tpu.memory_space<hbm>>) target_semaphore(%arg21 : memref<!tpu.dma_semaphore, #tpu.memory_space<semaphore_mem>>)
    %add3A_476 = arith.constant 0 : i32
    %add3A_477 = arith.addi %mul3A_11, %add3A_476 : i32
    %add3A_478 = arith.constant 0 : i32
    %add3A_479 = arith.addi %mul3A_11, %add3A_478 : i32
    %dma_wait3A_480 = arith.constant 0 : i32
    %dma_wait3A_481 = tpu.memref_slice %arg8[%arg0, %add3A_479, %dma_wait3A_480] : memref<2x10240x128xf32, #tpu.memory_space<hbm>> -> memref<1x64x128xf32, #tpu.memory_space<hbm>>
    %dma_wait3A_482 = tpu.memref_squeeze %dma_wait3A_481 : memref<1x64x128xf32, #tpu.memory_space<hbm>> -> memref<64x128xf32, #tpu.memory_space<hbm>>
    %dma_wait3A_483 = arith.constant 0 : i32
    %dma_wait3A_484 = tpu.memref_slice %arg16[%add3A_477, %dma_wait3A_483] : memref<10240x128xf32, #tpu.memory_space<vmem_shared>> -> memref<64x128xf32, #tpu.memory_space<vmem_shared>>
    tpu.wait_dma2 semaphore(%arg20 : memref<!tpu.dma_semaphore, #tpu.memory_space<semaphore_mem>>) src(%dma_wait3A_484 : memref<64x128xf32, #tpu.memory_space<vmem_shared>>) dst(%dma_wait3A_482 : memref<64x128xf32, #tpu.memory_space<hbm>>)
    %add3A_485 = arith.constant 0 : i32
    %add3A_486 = arith.addi %mul3A_11, %add3A_485 : i32
    %add3A_487 = arith.constant 0 : i32
    %add3A_488 = arith.addi %mul3A_11, %add3A_487 : i32
    %dma_wait3A_489 = arith.constant 0 : i32
    %dma_wait3A_490 = tpu.memref_slice %arg9[%arg0, %add3A_488, %dma_wait3A_489] : memref<2x10240x8xf32, #tpu.memory_space<hbm>> -> memref<1x64x8xf32, #tpu.memory_space<hbm>>
    %dma_wait3A_491 = tpu.memref_squeeze %dma_wait3A_490 : memref<1x64x8xf32, #tpu.memory_space<hbm>> -> memref<64x8xf32, #tpu.memory_space<hbm>>
    %dma_wait3A_492 = arith.constant 0 : i32
    %dma_wait3A_493 = tpu.memref_slice %arg17[%add3A_486, %dma_wait3A_492] : memref<10240x8xf32, #tpu.memory_space<vmem_shared>> -> memref<64x8xf32, #tpu.memory_space<vmem_shared>>
    tpu.wait_dma2 semaphore(%arg21 : memref<!tpu.dma_semaphore, #tpu.memory_space<semaphore_mem>>) src(%dma_wait3A_493 : memref<64x8xf32, #tpu.memory_space<vmem_shared>>) dst(%dma_wait3A_491 : memref<64x8xf32, #tpu.memory_space<hbm>>)
    %add3A_494 = arith.constant 64 : i32
    %add3A_495 = arith.addi %mul3A_11, %add3A_494 : i32
    %add3A_496 = arith.constant 64 : i32
    %add3A_497 = arith.addi %mul3A_11, %add3A_496 : i32
    %dma_wait3A_498 = arith.constant 0 : i32
    %dma_wait3A_499 = tpu.memref_slice %arg8[%arg0, %add3A_497, %dma_wait3A_498] : memref<2x10240x128xf32, #tpu.memory_space<hbm>> -> memref<1x64x128xf32, #tpu.memory_space<hbm>>
    %dma_wait3A_500 = tpu.memref_squeeze %dma_wait3A_499 : memref<1x64x128xf32, #tpu.memory_space<hbm>> -> memref<64x128xf32, #tpu.memory_space<hbm>>
    %dma_wait3A_501 = arith.constant 0 : i32
    %dma_wait3A_502 = tpu.memref_slice %arg16[%add3A_495, %dma_wait3A_501] : memref<10240x128xf32, #tpu.memory_space<vmem_shared>> -> memref<64x128xf32, #tpu.memory_space<vmem_shared>>
    tpu.wait_dma2 semaphore(%arg20 : memref<!tpu.dma_semaphore, #tpu.memory_space<semaphore_mem>>) src(%dma_wait3A_502 : memref<64x128xf32, #tpu.memory_space<vmem_shared>>) dst(%dma_wait3A_500 : memref<64x128xf32, #tpu.memory_space<hbm>>)
    %add3A_503 = arith.constant 64 : i32
    %add3A_504 = arith.addi %mul3A_11, %add3A_503 : i32
    %add3A_505 = arith.constant 64 : i32
    %add3A_506 = arith.addi %mul3A_11, %add3A_505 : i32
    %dma_wait3A_507 = arith.constant 0 : i32
    %dma_wait3A_508 = tpu.memref_slice %arg9[%arg0, %add3A_506, %dma_wait3A_507] : memref<2x10240x8xf32, #tpu.memory_space<hbm>> -> memref<1x64x8xf32, #tpu.memory_space<hbm>>
    %dma_wait3A_509 = tpu.memref_squeeze %dma_wait3A_508 : memref<1x64x8xf32, #tpu.memory_space<hbm>> -> memref<64x8xf32, #tpu.memory_space<hbm>>
    %dma_wait3A_510 = arith.constant 0 : i32
    %dma_wait3A_511 = tpu.memref_slice %arg17[%add3A_504, %dma_wait3A_510] : memref<10240x8xf32, #tpu.memory_space<vmem_shared>> -> memref<64x8xf32, #tpu.memory_space<vmem_shared>>
    tpu.wait_dma2 semaphore(%arg21 : memref<!tpu.dma_semaphore, #tpu.memory_space<semaphore_mem>>) src(%dma_wait3A_511 : memref<64x8xf32, #tpu.memory_space<vmem_shared>>) dst(%dma_wait3A_509 : memref<64x8xf32, #tpu.memory_space<hbm>>)
    %add3A_512 = arith.constant 128 : i32
    %add3A_513 = arith.addi %mul3A_11, %add3A_512 : i32
    %add3A_514 = arith.constant 128 : i32
    %add3A_515 = arith.addi %mul3A_11, %add3A_514 : i32
    %dma_wait3A_516 = arith.constant 0 : i32
    %dma_wait3A_517 = tpu.memref_slice %arg8[%arg0, %add3A_515, %dma_wait3A_516] : memref<2x10240x128xf32, #tpu.memory_space<hbm>> -> memref<1x64x128xf32, #tpu.memory_space<hbm>>
    %dma_wait3A_518 = tpu.memref_squeeze %dma_wait3A_517 : memref<1x64x128xf32, #tpu.memory_space<hbm>> -> memref<64x128xf32, #tpu.memory_space<hbm>>
    %dma_wait3A_519 = arith.constant 0 : i32
    %dma_wait3A_520 = tpu.memref_slice %arg16[%add3A_513, %dma_wait3A_519] : memref<10240x128xf32, #tpu.memory_space<vmem_shared>> -> memref<64x128xf32, #tpu.memory_space<vmem_shared>>
    tpu.wait_dma2 semaphore(%arg20 : memref<!tpu.dma_semaphore, #tpu.memory_space<semaphore_mem>>) src(%dma_wait3A_520 : memref<64x128xf32, #tpu.memory_space<vmem_shared>>) dst(%dma_wait3A_518 : memref<64x128xf32, #tpu.memory_space<hbm>>)
    %add3A_521 = arith.constant 128 : i32
    %add3A_522 = arith.addi %mul3A_11, %add3A_521 : i32
    %add3A_523 = arith.constant 128 : i32
    %add3A_524 = arith.addi %mul3A_11, %add3A_523 : i32
    %dma_wait3A_525 = arith.constant 0 : i32
    %dma_wait3A_526 = tpu.memref_slice %arg9[%arg0, %add3A_524, %dma_wait3A_525] : memref<2x10240x8xf32, #tpu.memory_space<hbm>> -> memref<1x64x8xf32, #tpu.memory_space<hbm>>
    %dma_wait3A_527 = tpu.memref_squeeze %dma_wait3A_526 : memref<1x64x8xf32, #tpu.memory_space<hbm>> -> memref<64x8xf32, #tpu.memory_space<hbm>>
    %dma_wait3A_528 = arith.constant 0 : i32
    %dma_wait3A_529 = tpu.memref_slice %arg17[%add3A_522, %dma_wait3A_528] : memref<10240x8xf32, #tpu.memory_space<vmem_shared>> -> memref<64x8xf32, #tpu.memory_space<vmem_shared>>
    tpu.wait_dma2 semaphore(%arg21 : memref<!tpu.dma_semaphore, #tpu.memory_space<semaphore_mem>>) src(%dma_wait3A_529 : memref<64x8xf32, #tpu.memory_space<vmem_shared>>) dst(%dma_wait3A_527 : memref<64x8xf32, #tpu.memory_space<hbm>>)
    %add3A_530 = arith.constant 192 : i32
    %add3A_531 = arith.addi %mul3A_11, %add3A_530 : i32
    %add3A_532 = arith.constant 192 : i32
    %add3A_533 = arith.addi %mul3A_11, %add3A_532 : i32
    %dma_wait3A_534 = arith.constant 0 : i32
    %dma_wait3A_535 = tpu.memref_slice %arg8[%arg0, %add3A_533, %dma_wait3A_534] : memref<2x10240x128xf32, #tpu.memory_space<hbm>> -> memref<1x64x128xf32, #tpu.memory_space<hbm>>
    %dma_wait3A_536 = tpu.memref_squeeze %dma_wait3A_535 : memref<1x64x128xf32, #tpu.memory_space<hbm>> -> memref<64x128xf32, #tpu.memory_space<hbm>>
    %dma_wait3A_537 = arith.constant 0 : i32
    %dma_wait3A_538 = tpu.memref_slice %arg16[%add3A_531, %dma_wait3A_537] : memref<10240x128xf32, #tpu.memory_space<vmem_shared>> -> memref<64x128xf32, #tpu.memory_space<vmem_shared>>
    tpu.wait_dma2 semaphore(%arg20 : memref<!tpu.dma_semaphore, #tpu.memory_space<semaphore_mem>>) src(%dma_wait3A_538 : memref<64x128xf32, #tpu.memory_space<vmem_shared>>) dst(%dma_wait3A_536 : memref<64x128xf32, #tpu.memory_space<hbm>>)
    %add3A_539 = arith.constant 192 : i32
    %add3A_540 = arith.addi %mul3A_11, %add3A_539 : i32
    %add3A_541 = arith.constant 192 : i32
    %add3A_542 = arith.addi %mul3A_11, %add3A_541 : i32
    %dma_wait3A_543 = arith.constant 0 : i32
    %dma_wait3A_544 = tpu.memref_slice %arg9[%arg0, %add3A_542, %dma_wait3A_543] : memref<2x10240x8xf32, #tpu.memory_space<hbm>> -> memref<1x64x8xf32, #tpu.memory_space<hbm>>
    %dma_wait3A_545 = tpu.memref_squeeze %dma_wait3A_544 : memref<1x64x8xf32, #tpu.memory_space<hbm>> -> memref<64x8xf32, #tpu.memory_space<hbm>>
    %dma_wait3A_546 = arith.constant 0 : i32
    %dma_wait3A_547 = tpu.memref_slice %arg17[%add3A_540, %dma_wait3A_546] : memref<10240x8xf32, #tpu.memory_space<vmem_shared>> -> memref<64x8xf32, #tpu.memory_space<vmem_shared>>
    tpu.wait_dma2 semaphore(%arg21 : memref<!tpu.dma_semaphore, #tpu.memory_space<semaphore_mem>>) src(%dma_wait3A_547 : memref<64x8xf32, #tpu.memory_space<vmem_shared>>) dst(%dma_wait3A_545 : memref<64x8xf32, #tpu.memory_space<hbm>>)
    %add3A_548 = arith.constant 256 : i32
    %add3A_549 = arith.addi %mul3A_11, %add3A_548 : i32
    %add3A_550 = arith.constant 256 : i32
    %add3A_551 = arith.addi %mul3A_11, %add3A_550 : i32
    %dma_wait3A_552 = arith.constant 0 : i32
    %dma_wait3A_553 = tpu.memref_slice %arg8[%arg0, %add3A_551, %dma_wait3A_552] : memref<2x10240x128xf32, #tpu.memory_space<hbm>> -> memref<1x64x128xf32, #tpu.memory_space<hbm>>
    %dma_wait3A_554 = tpu.memref_squeeze %dma_wait3A_553 : memref<1x64x128xf32, #tpu.memory_space<hbm>> -> memref<64x128xf32, #tpu.memory_space<hbm>>
    %dma_wait3A_555 = arith.constant 0 : i32
    %dma_wait3A_556 = tpu.memref_slice %arg16[%add3A_549, %dma_wait3A_555] : memref<10240x128xf32, #tpu.memory_space<vmem_shared>> -> memref<64x128xf32, #tpu.memory_space<vmem_shared>>
    tpu.wait_dma2 semaphore(%arg20 : memref<!tpu.dma_semaphore, #tpu.memory_space<semaphore_mem>>) src(%dma_wait3A_556 : memref<64x128xf32, #tpu.memory_space<vmem_shared>>) dst(%dma_wait3A_554 : memref<64x128xf32, #tpu.memory_space<hbm>>)
    %add3A_557 = arith.constant 256 : i32
    %add3A_558 = arith.addi %mul3A_11, %add3A_557 : i32
    %add3A_559 = arith.constant 256 : i32
    %add3A_560 = arith.addi %mul3A_11, %add3A_559 : i32
    %dma_wait3A_561 = arith.constant 0 : i32
    %dma_wait3A_562 = tpu.memref_slice %arg9[%arg0, %add3A_560, %dma_wait3A_561] : memref<2x10240x8xf32, #tpu.memory_space<hbm>> -> memref<1x64x8xf32, #tpu.memory_space<hbm>>
    %dma_wait3A_563 = tpu.memref_squeeze %dma_wait3A_562 : memref<1x64x8xf32, #tpu.memory_space<hbm>> -> memref<64x8xf32, #tpu.memory_space<hbm>>
    %dma_wait3A_564 = arith.constant 0 : i32
    %dma_wait3A_565 = tpu.memref_slice %arg17[%add3A_558, %dma_wait3A_564] : memref<10240x8xf32, #tpu.memory_space<vmem_shared>> -> memref<64x8xf32, #tpu.memory_space<vmem_shared>>
    tpu.wait_dma2 semaphore(%arg21 : memref<!tpu.dma_semaphore, #tpu.memory_space<semaphore_mem>>) src(%dma_wait3A_565 : memref<64x8xf32, #tpu.memory_space<vmem_shared>>) dst(%dma_wait3A_563 : memref<64x8xf32, #tpu.memory_space<hbm>>)
    %add3A_566 = arith.constant 320 : i32
    %add3A_567 = arith.addi %mul3A_11, %add3A_566 : i32
    %add3A_568 = arith.constant 320 : i32
    %add3A_569 = arith.addi %mul3A_11, %add3A_568 : i32
    %dma_wait3A_570 = arith.constant 0 : i32
    %dma_wait3A_571 = tpu.memref_slice %arg8[%arg0, %add3A_569, %dma_wait3A_570] : memref<2x10240x128xf32, #tpu.memory_space<hbm>> -> memref<1x64x128xf32, #tpu.memory_space<hbm>>
    %dma_wait3A_572 = tpu.memref_squeeze %dma_wait3A_571 : memref<1x64x128xf32, #tpu.memory_space<hbm>> -> memref<64x128xf32, #tpu.memory_space<hbm>>
    %dma_wait3A_573 = arith.constant 0 : i32
    %dma_wait3A_574 = tpu.memref_slice %arg16[%add3A_567, %dma_wait3A_573] : memref<10240x128xf32, #tpu.memory_space<vmem_shared>> -> memref<64x128xf32, #tpu.memory_space<vmem_shared>>
    tpu.wait_dma2 semaphore(%arg20 : memref<!tpu.dma_semaphore, #tpu.memory_space<semaphore_mem>>) src(%dma_wait3A_574 : memref<64x128xf32, #tpu.memory_space<vmem_shared>>) dst(%dma_wait3A_572 : memref<64x128xf32, #tpu.memory_space<hbm>>)
    %add3A_575 = arith.constant 320 : i32
    %add3A_576 = arith.addi %mul3A_11, %add3A_575 : i32
    %add3A_577 = arith.constant 320 : i32
    %add3A_578 = arith.addi %mul3A_11, %add3A_577 : i32
    %dma_wait3A_579 = arith.constant 0 : i32
    %dma_wait3A_580 = tpu.memref_slice %arg9[%arg0, %add3A_578, %dma_wait3A_579] : memref<2x10240x8xf32, #tpu.memory_space<hbm>> -> memref<1x64x8xf32, #tpu.memory_space<hbm>>
    %dma_wait3A_581 = tpu.memref_squeeze %dma_wait3A_580 : memref<1x64x8xf32, #tpu.memory_space<hbm>> -> memref<64x8xf32, #tpu.memory_space<hbm>>
    %dma_wait3A_582 = arith.constant 0 : i32
    %dma_wait3A_583 = tpu.memref_slice %arg17[%add3A_576, %dma_wait3A_582] : memref<10240x8xf32, #tpu.memory_space<vmem_shared>> -> memref<64x8xf32, #tpu.memory_space<vmem_shared>>
    tpu.wait_dma2 semaphore(%arg21 : memref<!tpu.dma_semaphore, #tpu.memory_space<semaphore_mem>>) src(%dma_wait3A_583 : memref<64x8xf32, #tpu.memory_space<vmem_shared>>) dst(%dma_wait3A_581 : memref<64x8xf32, #tpu.memory_space<hbm>>)
    %add3A_584 = arith.constant 384 : i32
    %add3A_585 = arith.addi %mul3A_11, %add3A_584 : i32
    %add3A_586 = arith.constant 384 : i32
    %add3A_587 = arith.addi %mul3A_11, %add3A_586 : i32
    %dma_wait3A_588 = arith.constant 0 : i32
    %dma_wait3A_589 = tpu.memref_slice %arg8[%arg0, %add3A_587, %dma_wait3A_588] : memref<2x10240x128xf32, #tpu.memory_space<hbm>> -> memref<1x64x128xf32, #tpu.memory_space<hbm>>
    %dma_wait3A_590 = tpu.memref_squeeze %dma_wait3A_589 : memref<1x64x128xf32, #tpu.memory_space<hbm>> -> memref<64x128xf32, #tpu.memory_space<hbm>>
    %dma_wait3A_591 = arith.constant 0 : i32
    %dma_wait3A_592 = tpu.memref_slice %arg16[%add3A_585, %dma_wait3A_591] : memref<10240x128xf32, #tpu.memory_space<vmem_shared>> -> memref<64x128xf32, #tpu.memory_space<vmem_shared>>
    tpu.wait_dma2 semaphore(%arg20 : memref<!tpu.dma_semaphore, #tpu.memory_space<semaphore_mem>>) src(%dma_wait3A_592 : memref<64x128xf32, #tpu.memory_space<vmem_shared>>) dst(%dma_wait3A_590 : memref<64x128xf32, #tpu.memory_space<hbm>>)
    %add3A_593 = arith.constant 384 : i32
    %add3A_594 = arith.addi %mul3A_11, %add3A_593 : i32
    %add3A_595 = arith.constant 384 : i32
    %add3A_596 = arith.addi %mul3A_11, %add3A_595 : i32
    %dma_wait3A_597 = arith.constant 0 : i32
    %dma_wait3A_598 = tpu.memref_slice %arg9[%arg0, %add3A_596, %dma_wait3A_597] : memref<2x10240x8xf32, #tpu.memory_space<hbm>> -> memref<1x64x8xf32, #tpu.memory_space<hbm>>
    %dma_wait3A_599 = tpu.memref_squeeze %dma_wait3A_598 : memref<1x64x8xf32, #tpu.memory_space<hbm>> -> memref<64x8xf32, #tpu.memory_space<hbm>>
    %dma_wait3A_600 = arith.constant 0 : i32
    %dma_wait3A_601 = tpu.memref_slice %arg17[%add3A_594, %dma_wait3A_600] : memref<10240x8xf32, #tpu.memory_space<vmem_shared>> -> memref<64x8xf32, #tpu.memory_space<vmem_shared>>
    tpu.wait_dma2 semaphore(%arg21 : memref<!tpu.dma_semaphore, #tpu.memory_space<semaphore_mem>>) src(%dma_wait3A_601 : memref<64x8xf32, #tpu.memory_space<vmem_shared>>) dst(%dma_wait3A_599 : memref<64x8xf32, #tpu.memory_space<hbm>>)
    %add3A_602 = arith.constant 448 : i32
    %add3A_603 = arith.addi %mul3A_11, %add3A_602 : i32
    %add3A_604 = arith.constant 448 : i32
    %add3A_605 = arith.addi %mul3A_11, %add3A_604 : i32
    %dma_wait3A_606 = arith.constant 0 : i32
    %dma_wait3A_607 = tpu.memref_slice %arg8[%arg0, %add3A_605, %dma_wait3A_606] : memref<2x10240x128xf32, #tpu.memory_space<hbm>> -> memref<1x64x128xf32, #tpu.memory_space<hbm>>
    %dma_wait3A_608 = tpu.memref_squeeze %dma_wait3A_607 : memref<1x64x128xf32, #tpu.memory_space<hbm>> -> memref<64x128xf32, #tpu.memory_space<hbm>>
    %dma_wait3A_609 = arith.constant 0 : i32
    %dma_wait3A_610 = tpu.memref_slice %arg16[%add3A_603, %dma_wait3A_609] : memref<10240x128xf32, #tpu.memory_space<vmem_shared>> -> memref<64x128xf32, #tpu.memory_space<vmem_shared>>
    tpu.wait_dma2 semaphore(%arg20 : memref<!tpu.dma_semaphore, #tpu.memory_space<semaphore_mem>>) src(%dma_wait3A_610 : memref<64x128xf32, #tpu.memory_space<vmem_shared>>) dst(%dma_wait3A_608 : memref<64x128xf32, #tpu.memory_space<hbm>>)
    %add3A_611 = arith.constant 448 : i32
    %add3A_612 = arith.addi %mul3A_11, %add3A_611 : i32
    %add3A_613 = arith.constant 448 : i32
    %add3A_614 = arith.addi %mul3A_11, %add3A_613 : i32
    %dma_wait3A_615 = arith.constant 0 : i32
    %dma_wait3A_616 = tpu.memref_slice %arg9[%arg0, %add3A_614, %dma_wait3A_615] : memref<2x10240x8xf32, #tpu.memory_space<hbm>> -> memref<1x64x8xf32, #tpu.memory_space<hbm>>
    %dma_wait3A_617 = tpu.memref_squeeze %dma_wait3A_616 : memref<1x64x8xf32, #tpu.memory_space<hbm>> -> memref<64x8xf32, #tpu.memory_space<hbm>>
    %dma_wait3A_618 = arith.constant 0 : i32
    %dma_wait3A_619 = tpu.memref_slice %arg17[%add3A_612, %dma_wait3A_618] : memref<10240x8xf32, #tpu.memory_space<vmem_shared>> -> memref<64x8xf32, #tpu.memory_space<vmem_shared>>
    tpu.wait_dma2 semaphore(%arg21 : memref<!tpu.dma_semaphore, #tpu.memory_space<semaphore_mem>>) src(%dma_wait3A_619 : memref<64x8xf32, #tpu.memory_space<vmem_shared>>) dst(%dma_wait3A_617 : memref<64x8xf32, #tpu.memory_space<hbm>>)
    %add3A_620 = arith.constant 512 : i32
    %add3A_621 = arith.addi %mul3A_11, %add3A_620 : i32
    %add3A_622 = arith.constant 512 : i32
    %add3A_623 = arith.addi %mul3A_11, %add3A_622 : i32
    %dma_wait3A_624 = arith.constant 0 : i32
    %dma_wait3A_625 = tpu.memref_slice %arg8[%arg0, %add3A_623, %dma_wait3A_624] : memref<2x10240x128xf32, #tpu.memory_space<hbm>> -> memref<1x64x128xf32, #tpu.memory_space<hbm>>
    %dma_wait3A_626 = tpu.memref_squeeze %dma_wait3A_625 : memref<1x64x128xf32, #tpu.memory_space<hbm>> -> memref<64x128xf32, #tpu.memory_space<hbm>>
    %dma_wait3A_627 = arith.constant 0 : i32
    %dma_wait3A_628 = tpu.memref_slice %arg16[%add3A_621, %dma_wait3A_627] : memref<10240x128xf32, #tpu.memory_space<vmem_shared>> -> memref<64x128xf32, #tpu.memory_space<vmem_shared>>
    tpu.wait_dma2 semaphore(%arg20 : memref<!tpu.dma_semaphore, #tpu.memory_space<semaphore_mem>>) src(%dma_wait3A_628 : memref<64x128xf32, #tpu.memory_space<vmem_shared>>) dst(%dma_wait3A_626 : memref<64x128xf32, #tpu.memory_space<hbm>>)
    %add3A_629 = arith.constant 512 : i32
    %add3A_630 = arith.addi %mul3A_11, %add3A_629 : i32
    %add3A_631 = arith.constant 512 : i32
    %add3A_632 = arith.addi %mul3A_11, %add3A_631 : i32
    %dma_wait3A_633 = arith.constant 0 : i32
    %dma_wait3A_634 = tpu.memref_slice %arg9[%arg0, %add3A_632, %dma_wait3A_633] : memref<2x10240x8xf32, #tpu.memory_space<hbm>> -> memref<1x64x8xf32, #tpu.memory_space<hbm>>
    %dma_wait3A_635 = tpu.memref_squeeze %dma_wait3A_634 : memref<1x64x8xf32, #tpu.memory_space<hbm>> -> memref<64x8xf32, #tpu.memory_space<hbm>>
    %dma_wait3A_636 = arith.constant 0 : i32
    %dma_wait3A_637 = tpu.memref_slice %arg17[%add3A_630, %dma_wait3A_636] : memref<10240x8xf32, #tpu.memory_space<vmem_shared>> -> memref<64x8xf32, #tpu.memory_space<vmem_shared>>
    tpu.wait_dma2 semaphore(%arg21 : memref<!tpu.dma_semaphore, #tpu.memory_space<semaphore_mem>>) src(%dma_wait3A_637 : memref<64x8xf32, #tpu.memory_space<vmem_shared>>) dst(%dma_wait3A_635 : memref<64x8xf32, #tpu.memory_space<hbm>>)
    %add3A_638 = arith.constant 576 : i32
    %add3A_639 = arith.addi %mul3A_11, %add3A_638 : i32
    %add3A_640 = arith.constant 576 : i32
    %add3A_641 = arith.addi %mul3A_11, %add3A_640 : i32
    %dma_wait3A_642 = arith.constant 0 : i32
    %dma_wait3A_643 = tpu.memref_slice %arg8[%arg0, %add3A_641, %dma_wait3A_642] : memref<2x10240x128xf32, #tpu.memory_space<hbm>> -> memref<1x64x128xf32, #tpu.memory_space<hbm>>
    %dma_wait3A_644 = tpu.memref_squeeze %dma_wait3A_643 : memref<1x64x128xf32, #tpu.memory_space<hbm>> -> memref<64x128xf32, #tpu.memory_space<hbm>>
    %dma_wait3A_645 = arith.constant 0 : i32
    %dma_wait3A_646 = tpu.memref_slice %arg16[%add3A_639, %dma_wait3A_645] : memref<10240x128xf32, #tpu.memory_space<vmem_shared>> -> memref<64x128xf32, #tpu.memory_space<vmem_shared>>
    tpu.wait_dma2 semaphore(%arg20 : memref<!tpu.dma_semaphore, #tpu.memory_space<semaphore_mem>>) src(%dma_wait3A_646 : memref<64x128xf32, #tpu.memory_space<vmem_shared>>) dst(%dma_wait3A_644 : memref<64x128xf32, #tpu.memory_space<hbm>>)
    %add3A_647 = arith.constant 576 : i32
    %add3A_648 = arith.addi %mul3A_11, %add3A_647 : i32
    %add3A_649 = arith.constant 576 : i32
    %add3A_650 = arith.addi %mul3A_11, %add3A_649 : i32
    %dma_wait3A_651 = arith.constant 0 : i32
    %dma_wait3A_652 = tpu.memref_slice %arg9[%arg0, %add3A_650, %dma_wait3A_651] : memref<2x10240x8xf32, #tpu.memory_space<hbm>> -> memref<1x64x8xf32, #tpu.memory_space<hbm>>
    %dma_wait3A_653 = tpu.memref_squeeze %dma_wait3A_652 : memref<1x64x8xf32, #tpu.memory_space<hbm>> -> memref<64x8xf32, #tpu.memory_space<hbm>>
    %dma_wait3A_654 = arith.constant 0 : i32
    %dma_wait3A_655 = tpu.memref_slice %arg17[%add3A_648, %dma_wait3A_654] : memref<10240x8xf32, #tpu.memory_space<vmem_shared>> -> memref<64x8xf32, #tpu.memory_space<vmem_shared>>
    tpu.wait_dma2 semaphore(%arg21 : memref<!tpu.dma_semaphore, #tpu.memory_space<semaphore_mem>>) src(%dma_wait3A_655 : memref<64x8xf32, #tpu.memory_space<vmem_shared>>) dst(%dma_wait3A_653 : memref<64x8xf32, #tpu.memory_space<hbm>>)
    return
  }
}

module attributes {stable_mosaic.version = 14 : i64} {
  func.func @_tc_body(%arg0: i32, %arg1: memref<2x400x128xf32, #tpu.memory_space<vmem>>, %arg2: memref<2x400x8xf32, #tpu.memory_space<vmem>>, %arg3: memref<128x128xf32, #tpu.memory_space<vmem>>, %arg4: memref<1x128xf32, #tpu.memory_space<vmem>>, %arg5: memref<400x128xf32, #tpu.memory_space<vmem>>) attributes {dimension_semantics = [#tpu.dimension_semantics<arbitrary>], iteration_bounds = array<i64: 25>, scalar_prefetch = 0 : i64, scratch_operands = 0 : i64, tpu.core_type = #tpu.core_type<tc>, window_params = [{transform_indices = @transform_0, window_bounds = array<i64: 2, 400, 128>}, {transform_indices = @transform_1, window_bounds = array<i64: 2, 400, 8>}, {pipeline_mode = #tpu.pipeline_mode<synchronous>, transform_indices = @transform_2, window_bounds = array<i64: 128, 128>}, {pipeline_mode = #tpu.pipeline_mode<synchronous>, transform_indices = @transform_3, window_bounds = array<i64: 1, 128>}, {transform_indices = @transform_4, window_bounds = array<i64: 400, 128>}]} {
    %get3A = arith.constant 0 : index
    %get3A_0 = arith.constant 0 : index
    %get3A_1 = arith.constant 0 : index
    %get3A_2 = vector.load %arg1[%get3A, %get3A_0, %get3A_1] : memref<2x400x128xf32, #tpu.memory_space<vmem>>, vector<1x400x128xf32>
    %get3A_3 = vector.shape_cast %get3A_2 : vector<1x400x128xf32> to vector<400x128xf32>
    %get3A_4 = arith.constant 1 : index
    %get3A_5 = arith.constant 0 : index
    %get3A_6 = arith.constant 0 : index
    %get3A_7 = vector.load %arg1[%get3A_4, %get3A_5, %get3A_6] : memref<2x400x128xf32, #tpu.memory_space<vmem>>, vector<1x400x128xf32>
    %get3A_8 = vector.shape_cast %get3A_7 : vector<1x400x128xf32> to vector<400x128xf32>
    %add3A = arith.addf %get3A_3, %get3A_8 : vector<400x128xf32>
    %get3A_9 = arith.constant 0 : index
    %get3A_10 = arith.constant 0 : index
    %get3A_11 = arith.constant 0 : index
    %get3A_12 = vector.load %arg2[%get3A_9, %get3A_10, %get3A_11] : memref<2x400x8xf32, #tpu.memory_space<vmem>>, vector<1x400x1xf32>
    %get3A_13 = vector.shape_cast %get3A_12 : vector<1x400x1xf32> to vector<400x1xf32>
    %get3A_14 = arith.constant 1 : index
    %get3A_15 = arith.constant 0 : index
    %get3A_16 = arith.constant 0 : index
    %get3A_17 = vector.load %arg2[%get3A_14, %get3A_15, %get3A_16] : memref<2x400x8xf32, #tpu.memory_space<vmem>>, vector<1x400x1xf32>
    %get3A_18 = vector.shape_cast %get3A_17 : vector<1x400x1xf32> to vector<400x1xf32>
    %add3A_19 = arith.addf %get3A_13, %get3A_18 : vector<400x1xf32>
    %max3A = arith.constant 1.000000e+00 : f32
    %max3A_20 = vector.broadcast %max3A : f32 to vector<400x1xf32>
    %max3A_21 = arith.maximumf %add3A_19, %max3A_20 : vector<400x1xf32>
    %div3A = vector.broadcast %max3A_21 : vector<400x1xf32> to vector<400x128xf32>
    %div3A_22 = arith.divf %add3A, %div3A : vector<400x128xf32>
    %get3A_23 = arith.constant 0 : index
    %get3A_24 = arith.constant 0 : index
    %get3A_25 = vector.load %arg3[%get3A_23, %get3A_24] : memref<128x128xf32, #tpu.memory_space<vmem>>, vector<128x128xf32>
    %dot_general3A = arith.constant dense<0.000000e+00> : vector<400x128xf32>
    %dot_general3A_26 = tpu.matmul %div3A_22, %get3A_25, %dot_general3A {dimension_numbers = #tpu.dot_dimension_numbers<[1], [1], [0], [0], [0, 0, 1, 0], [], []>, transpose_lhs_hint = false} : vector<400x128xf32>, vector<128x128xf32>, vector<400x128xf32> -> vector<400x128xf32>
    %get3A_27 = arith.constant 0 : index
    %get3A_28 = arith.constant 0 : index
    %get3A_29 = vector.load %arg4[%get3A_27, %get3A_28] : memref<1x128xf32, #tpu.memory_space<vmem>>, vector<1x128xf32>
    %add3A_30 = vector.broadcast %get3A_29 : vector<1x128xf32> to vector<400x128xf32>
    %add3A_31 = arith.addf %dot_general3A_26, %add3A_30 : vector<400x128xf32>
    %max3A_32 = arith.constant 0.000000e+00 : f32
    %max3A_33 = vector.broadcast %max3A_32 : f32 to vector<400x128xf32>
    %max3A_34 = arith.maximumf %add3A_31, %max3A_33 : vector<400x128xf32>
    %swap3A = arith.constant 0 : index
    %swap3A_35 = arith.constant 0 : index
    %swap3A_36 = vector.load %arg5[%swap3A, %swap3A_35] : memref<400x128xf32, #tpu.memory_space<vmem>>, vector<400x128xf32>
    tpu.vector_store %arg5[%swap3A, %swap3A_35], %max3A_34 {strides = array<i32>} : memref<400x128xf32, #tpu.memory_space<vmem>>, vector<400x128xf32>,
    return
  }
  func.func @transform_0(%arg0: i32) -> (i32, i32, i32) {
    %c0_i32 = arith.constant 0 : i32
    %c0_i32_0 = arith.constant 0 : i32
    %c0_i32_1 = arith.constant 0 : i32
    return %c0_i32, %arg0, %c0_i32_0 : i32, i32, i32
  }
  func.func @transform_1(%arg0: i32) -> (i32, i32, i32) {
    %c0_i32 = arith.constant 0 : i32
    %c0_i32_0 = arith.constant 0 : i32
    %c0_i32_1 = arith.constant 0 : i32
    return %c0_i32, %arg0, %c0_i32_0 : i32, i32, i32
  }
  func.func @transform_2(%arg0: i32) -> (i32, i32) {
    %c0_i32 = arith.constant 0 : i32
    %c0_i32_0 = arith.constant 0 : i32
    %c0_i32_1 = arith.constant 0 : i32
    return %c0_i32, %c0_i32_0 : i32, i32
  }
  func.func @transform_3(%arg0: i32) -> (i32, i32) {
    %c0_i32 = arith.constant 0 : i32
    %c0_i32_0 = arith.constant 0 : i32
    %c0_i32_1 = arith.constant 0 : i32
    return %c0_i32, %c0_i32_0 : i32, i32
  }
  func.func @transform_4(%arg0: i32) -> (i32, i32) {
    %c0_i32 = arith.constant 0 : i32
    %c0_i32_0 = arith.constant 0 : i32
    return %arg0, %c0_i32 : i32, i32
  }
}

</mosaic_0001>

<sc_bundles>
// kernel: kernel.4.cloned.1.call-start
scs
__scs_entry_jumppad:
0x0: {  	(pc) =	sbr.rel $0x88, $3  }
0x1: {  	(tag) =	ssettag $0x0;
	lr =	simm.s32 $0x1  }
0x2: {  	[smem:$0x3F9D] =	sst lr;
	_ =	strace $0xD0000000  }
0x3: {  	_ = 	snop  }
0x4: {  	_ = 	snop  }
0x5: {  	_ = 	snop  }
0x6: {  	_ = 	snop  }
0x7: {  	_ = 	snop  }
__scs_overlays_trampoline_lowered:
0x8: {  	[smem:$0x3FAC] =	sst s0  }
0x9: {  	[smem:$0x3FAD] =	sst s1  }
0xa: {  	[smem:$0x3FAE] =	sst s2  }
0xb: {  	[smem:$0x3FAF] =	sst s3  }
0xc: {  	[smem:$0x3FB0] =	sst s4  }
0xd: {  	[smem:$0x3FB1] =	sst s5  }
0xe: {  	[smem:$0x3FB2] =	sst s6  }
0xf: {  	[smem:$0x3FB3] =	sst s7  }
0x10: {  	[smem:$0x3FB4] =	sst s8  }
0x11: {  	[smem:$0x3FB5] =	sst s9;
	s0 =	simm.s32 @!p0 $0x0  }
0x12: {  	s1 =	sld [smem:$0x3F9B];
	s0 =	simm.s32 @p0 $0x1  }
0x13: {  	[smem:$0x3FB6] =	sst s0;
	s0 =	simm.s32 @!p1 $0x0  }
0x14: {  	s2 =	sld [smem:$0x3F9A];
	s0 =	simm.s32 @p1 $0x1  }
0x15: {  	[smem:$0x3FB7] =	sst s0;
	s0 =	simm.s32 @!p2 $0x0  }
0x16: {  	s3 =	sld [smem:$0x3FDB];
	s0 =	simm.s32 @p2 $0x1  }
0x17: {  	s4 =	simm.s32 $0x1BF5;
	[smem:$0x3FB9] =	sst s0  }
0x18: {  	s0 =	sld [smem:$0x3F9C];
	_ =	swait.ge [sflag:s4], $0x0  }
0x19: {  	s7 =	sld [smem:$0x3F9D]  }
0x1a: {  	s8 =	sadd.s32 $0xFFFFE003, lr  }
0x1b: {  	s9 =	sadd.s32 $0xFFFFFEF7, lr;
	s5 =	simm.s32 $0xFFFFFFFF;
	p2 =	slt.u32 s8, $0xFFFFF086  }
0x1c: {  	p1 =	slt.u32 s9, $0xF7A;
	s5 =	simm.s32 @!p2 $0x0  }
0x1d: {  	s5 =	simm.s32 @p1 $0x1;
	p0 =	seq.s32 s7, s2  }
0x1e: {  	s7 =	smul.u32 @!p0 $0xF7A, s2;
	p2 =	seq.s32 @!p0 s5, $0x0  }
0x1f: {  	s9 =	smul.u32 $0xF7A, s1;
	s8 =	simm.s32 @!p0 $0x1BF5;
	p2 =	por !p2, p0  }
0x20: {  	[sflag:s8] =	ssyncset.s32 @!p0 $0xFFFFF086;
	s6 =	sadd.s32 @!p0 s3, s7;
	s7 =	simm.s32 @!p0 $0x108  }
0x21: {  	s3 =	sadd.s32 s3, s9;
	s6 =	sadd.s32 @!p0 $0x88, s6;
	s7 =	simm.s32 @p2 $0x1082  }
0x22: {  	[simem:s7], [sflag:s8] =	dma.local @!p0 [hbm:s6], $0xF7A  }
0x23: {  	s9 =	sor.u32 $0xD0000000, s2;
	s6 =	simm.s32 $0x108;
	_ =	swait.ge @!p0 [sflag:s8], $0x0  }
0x24: {  	s3 =	sadd.s32 $0x88, s3;
	s6 =	simm.s32 @!p1 $0x1082;
	[sflag:s4] =	ssyncset.s32 $0xFFFFF086  }
0x25: {  	[simem:s6], [sflag:s4] =	dma.local [hbm:s3], $0xF7A  }
0x26: {  	[smem:$0x3F9D] =	sst s1;
	(tag) =	ssettag s2;
	_ =	strace s9  }
0x27: {  	s1 =	sld [smem:$0x3FAD]  }
0x28: {  	s2 =	sld [smem:$0x3FAE]  }
0x29: {  	s4 =	sld [smem:$0x3FB0]  }
0x2a: {  	p0 =	seq.s32 s5, $0x0;
	s5 =	sld [smem:$0x3FB1]  }
0x2b: {  	s6 =	sld [smem:$0x3FB2]  }
0x2c: {  	s7 =	sld [smem:$0x3FB3]  }
0x2d: {  	s3 =	simm.s32 $0x108;
	s8 =	sld [smem:$0x3FB4]  }
0x2e: {  	s3 =	simm.s32 @!p0 $0x1082;
	s9 =	sld [smem:$0x3FB5]  }
0x2f: {  	lr =	sadd.s32 s0, s3;
	s0 =	sld [smem:$0x3FAC]  }
0x30: {  	s3 =	sld [smem:$0x3FAF]  }
0x31: {  	[smem:$0x3FB8] =	sst s10  }
0x32: {  	s10 =	sld [smem:$0x3FB6];
	_ =	sdelay $0x3  }
0x33: {  	p0 =	seq.s32 s10, $0x1;
	s10 =	sld [smem:$0x3FB8];
	_ =	sdelay $0x3  }
0x34: {  	[smem:$0x3FB8] =	sst s10  }
0x35: {  	s10 =	sld [smem:$0x3FB7];
	_ =	sdelay $0x3  }
0x36: {  	p1 =	seq.s32 s10, $0x1;
	s10 =	sld [smem:$0x3FB8];
	_ =	sdelay $0x3  }
0x37: {  	[smem:$0x3FB8] =	sst s10  }
0x38: {  	s10 =	sld [smem:$0x3FB9]  }
0x39: {  	_ = 	snop;
	(pc) =	sbr.ind lr, $3  }
0x3a: {  	_ = 	snop  }
0x3b: {  	_ = 	snop  }
0x3c: {  	p2 =	seq.s32 s10, $0x1;
	s10 =	sld [smem:$0x3FB8]  }
0x3d: {  	_ =	shalt  }
0x3e: {  	_ =	shalt  }
0x3f: {  	_ =	shalt  }
0x40: {  	_ =	shalt  }
0x41: {  	_ =	shalt  }
0x42: {  	_ =	shalt  }
0x43: {  	_ =	shalt  }
0x44: {  	_ =	shalt  }
0x45: {  	_ =	shalt  }
0x46: {  	_ =	shalt  }
0x47: {  	_ =	shalt  }
0x48: {  	_ =	shalt  }
0x49: {  	_ =	shalt  }
0x4a: {  	_ =	shalt  }
0x4b: {  	_ =	shalt  }
0x4c: {  	_ =	shalt  }
0x4d: {  	_ =	shalt  }
0x4e: {  	_ =	shalt  }
0x4f: {  	_ =	shalt  }
0x50: {  	_ =	shalt  }
0x51: {  	_ =	shalt  }
0x52: {  	_ =	shalt  }
0x53: {  	_ =	shalt  }
0x54: {  	_ =	shalt  }
0x55: {  	_ =	shalt  }
0x56: {  	_ =	shalt  }
0x57: {  	_ =	shalt  }
0x58: {  	_ =	shalt  }
0x59: {  	_ =	shalt  }
0x5a: {  	_ =	shalt  }
0x5b: {  	_ =	shalt  }
0x5c: {  	_ =	shalt  }
0x5d: {  	_ =	shalt  }
0x5e: {  	_ =	shalt  }
0x5f: {  	_ =	shalt  }
0x60: {  	_ =	shalt  }
0x61: {  	_ =	shalt  }
0x62: {  	_ =	shalt  }
0x63: {  	_ =	shalt  }
0x64: {  	_ =	shalt  }
0x65: {  	_ =	shalt  }
0x66: {  	_ =	shalt  }
0x67: {  	_ =	shalt  }
0x68: {  	_ =	shalt  }
0x69: {  	_ =	shalt  }
0x6a: {  	_ =	shalt  }
0x6b: {  	_ =	shalt  }
0x6c: {  	_ =	shalt  }
0x6d: {  	_ =	shalt  }
0x6e: {  	_ =	shalt  }
0x6f: {  	_ =	shalt  }
0x70: {  	_ =	shalt  }
0x71: {  	_ =	shalt  }
0x72: {  	_ =	shalt  }
0x73: {  	_ =	shalt  }
0x74: {  	_ =	shalt  }
0x75: {  	_ =	shalt  }
0x76: {  	_ =	shalt  }
0x77: {  	_ =	shalt  }
0x78: {  	_ =	shalt  }
0x79: {  	_ =	shalt  }
0x7a: {  	_ =	shalt  }
0x7b: {  	_ =	shalt  }
0x7c: {  	_ =	shalt  }
0x7d: {  	_ =	shalt  }
0x7e: {  	_ =	shalt  }
0x7f: {  	_ =	shalt  }
0x80: {  	_ =	shalt  }
0x81: {  	_ =	shalt  }
0x82: {  	_ =	shalt  }
0x83: {  	_ =	shalt  }
0x84: {  	_ =	shalt  }
0x85: {  	_ =	shalt  }
0x86: {  	_ =	shalt  }
0x87: {  	_ =	shalt  }
.Lfunc_end0:
.L_simem_size_0:
called_computation_lowered:
.L_overlay_start_0:
0x88: {  	s2 =	sld [smem:$0x3FD9]  }
0x89: {  	s3 =	sld [smem:$0x3FFE];
	_ =	sdelay $0x1  }
0x8a: {  	s1 =	srdreg.scid  }
0x8b: {  	s0 =	sand.u32 $0x1, s1  }
0x8c: {  	s17 =	sshll.u32 s0, $0xA;
	s2 =	sadd.s32 s3, s2  }
0x8d: {  	s2 =	sadd.s32 s2, s17  }
0x8e: {  	[smem:$0x3FC4] =	sst s2  }
0x8f: {  	_ = 	snop  }
0x90: {  	s2 =	sld [smem:$0x3FC9]  }
0x91: {  	s18 =	sld [smem:$0x3FD0];
	(tm) =	ssettm $0x1  }
0x92: {  	s4 =	sld [smem:$0x3FFB];
	_ =	sdelay $0x3  }
0x93: {  	_ =	strace s4  }
0x94: {  	s4 =	sld [smem:$0x3FFC];
	_ =	sdelay $0x3  }
0x95: {  	_ =	strace s4  }
0x96: {  	s4 =	sld [smem:$0x3FFD];
	_ =	sdelay $0x3  }
0x97: {  	_ =	strace s4  }
0x98: {  	_ =	strace $0x8FFFFFFF  }
0x99: {  	s19 =	sld [smem:$0x3FDB];
	_ =	sdelay $0x1  }
0x9a: {  	s5 =	simm.s32 $_scs_section_size  }
0x9b: {  	s6 =	simm.s32 $_size__tile_overlayer_lowered;
	s7 =	simm.s32 $_tile_overlayer_lowered  }
0x9c: {  	s22 =	simm.s32 $0x1BFF;
	s21 =	sshll.u32 s7, $0x1;
	s4 =	sadd.s32 s5, s19  }
0x9d: {  	s8 =	simm.s32 $0x0;
	s20 =	sshll.u32 s6, $0x1;
	s6 =	sadd.s32 s21, s4  }
0x9e: {  	[timem:s8], [sflag:s22] =	dma.local [hbm:s6], s20  }
0x9f: {  	_ =	swait.ge [sflag:s22], s20  }
0xa0: {  	s5 =	ssub.s32 $0x0, s20;
	[sflag:s22] =	ssyncset.done $0x0  }
0xa1: {  	[sflag:s22] =	ssyncadd.s32 s5;
	_ =	sdelay $0x1  }
0xa2: {  	s23 =	simm.s32 $0x1B8B  }
0xa3: {  	_ =	swait.ge [sflag:s23], $0x1  }
0xa4: {  	[sflag:s23] =	ssyncset.done $0x0  }
0xa5: {  	s25 =	simm.s32 $0x1B8E;
	s24 =	sld [smem:$0x3FFE];
	[sflag:s23] =	ssyncadd.s32 $0xFFFFFFFF  }
0xa6: {  	s26 =	simm.s32 $execute0_lowered;
	[smem:$0x3FD2] =	sst s25  }
0xa7: {  	s6 =	sshll.u32 s26, $0x1;
	_ =	strace $0x80000046;
	[dreg:$0x1] =	wrdreg $0xFFFFFFFF  }
0xa8: {  	s28 =	simm.s32 $_size_execute0_lowered;
	s4 =	sadd.s32 s4, s6;
	[dreg:$0x0] =	wrdreg $0x0  }
0xa9: {  	s6 =	sshll.u32 s28, $0x1;
	[dreg:$0x2] =	wrdreg s4  }
0xaa: {  	[dreg:$0x3] =	wrdreg s6  }
0xab: {  	[dreg:$0x4] =	wrdreg $0xC0  }
0xac: {  	_ =	task [dreg:s8], $0x5FFFF  }
0xad: {  	[dreg:$0x1] =	wrdreg $0xFFFFFFFF  }
0xae: {  	[dreg:$0x0] =	wrdreg $0x60  }
0xaf: {  	[dreg:$0x2] =	wrdreg s2  }
0xb0: {  	[dreg:$0x3] =	wrdreg s18  }
0xb1: {  	[dreg:$0x4] =	wrdreg s24  }
0xb2: {  	[dreg:$0x5] =	wrdreg $0xA8000  }
0xb3: {  	[dreg:$0x6] =	wrdreg $0x1E8000  }
0xb4: {  	[dreg:$0x7] =	wrdreg $0x9  }
0xb5: {  	_ =	task.clear_ibuf [dreg:s8], $0x8FFFF;
	_ =	strace $0x90000046  }
0xb6: {  	s29 =	simm.s32 $0x9;
	_ =	strace $0x80000048  }
0xb7: {  	_ =	swait.ge [sflag:s29], $0x1  }
0xb8: {  	[sflag:s29] =	ssyncadd.s32 $0xFFFFFFFF  }
0xb9: {  	_ =	strace $0x90000048  }
0xba: {  	_ =	sfence  }
0xbb: {  	s30 =	sld [smem:$0x0];
	_ =	sdelay $0x2  }
0xbc: {  	s31 =	sshll.u32 s1, $0xD;
	s1 =	sshrl.u32 s1, $0x2  }
0xbd: {  	s3 =	sand.u32 $0x4000, s31;
	s1 =	sadd.s32 s1, s30  }
0xbe: {  	s0 =	sor.u32 s3, s0;
	s1 =	sshll.u32 s1, $0x11  }
0xbf: {  	s0 =	sor.u32 s1, s0  }
0xc0: {  	s0 =	sadd.s32 $0x8F2B, s0  }
0xc1: {  	[sflag:s0] =	ssyncadd.remote.s32 $0x1  }
0xc2: {  	_ =	sfence.sel $0xFFFF  }
0xc3: {  	[dreg:$0x0] =	wrdreg $0xFFFFFFFF;
	(pc) =	sbr.abs _section_cstart, $3  }
0xc4: {  	[dreg:$0x1] =	wrdreg $0xFFFFFFFF  }
0xc5: {  	_ =	task.clear_ibuf [dreg:s8], $0x2FFFF;
	_ =	strace $0x9FFFFFFF  }
0xc6: {  	(tm) =	ssettm $0x7FFFFFFF  }
0xc7: {  	_ =	shalt  }
tec
execute0_lowered:
.L_overlay_start_1:
0x0: {  	(tag) =	ssettag $0x1  }
0x1: {  	s26 =	stileid.u32  }
0x2: {  	s0 =	srdreg.scid;
	s21 =	smul.u32 $0x72, s26  }
0x3: {  	s8 =	rddreg [dreg:$0x2];
	s1 =	smul.u32 $0xC8, s26  }
0x4: {  	s30 =	rddreg [dreg:$0x1];
	s18 =	smul.u32 $0x280, s26  }
0x5: {  	s10 =	sand.u32 $0x1, s0;
	s20 =	sadd.s32 $0xFE00, s8;
	s15 =	smul.u32 $0x14000, s26  }
0x6: {  	s26 =	smul.u32 $0x1400, s26;
	s29 =	sadd.s32 $0xAE00, s8;
	s22 =	ssub.s32 $0x2, s10  }
0x7: {  	p0 =	seq.s32 s10, $0x0;
	s17 =	sadd.s32 $0xC80, s21;
	s23 =	sshrl.u32 s22, $0x1  }
0x8: {  	s11 =	sor.u32 $0x40, s18;
	s12 =	sadd.s32 $0x80, s18;
	s6 =	sadd.s32 $0xC0, s18  }
0x9: {  	s4 =	sadd.s32 $0x100, s18;
	s9 =	sadd.s32 $0x140, s18;
	s5 =	sadd.s32 $0x180, s18  }
0xa: {  	s3 =	sadd.s32 $0x1C0, s18;
	s2 =	sadd.s32 $0x200, s18;
	s17 =	smov.u32 @p0 s1  }
0xb: {  	s0 =	ssub.s32 s22, s23;
	s7 =	sshll.u32 s11, $0x7;
	s23 =	smul.u32 $0x140000, s10  }
0xc: {  	s16 =	sshll.u32 s12, $0x7;
	s14 =	sshll.u32 s6, $0x7;
	s1 =	sadd.s32 $0x240, s18  }
0xd: {  	s31 =	sadd.s32 s29, s2;
	[smem:$0x7F3] =	sst s0;
	s0 =	sshll.u32 s4, $0x7  }
0xe: {  	s28 =	sshll.u32 s17, $0x3;
	s24 =	sadd.s32 s15, s23;
	s13 =	sadd.s32 s23, s7  }
0xf: {  	s22 =	sadd.s32 s23, s14;
	s19 =	sshrl.u32 s24, $0x3;
	s18 =	sshrl.u32 s13, $0x3  }
0x10: {  	s24 =	sshrl.u32 s22, $0x3;
	s13 =	sadd.s32 s23, s0;
	s25 =	sadd.s32 s20, s19  }
0x11: {  	s19 =	sadd.s32 s23, s16;
	[dreg:$0x6] =	wrdreg s25;
	s25 =	smul.u32 $0x14000, s10  }
0x12: {  	s10 =	sadd.s32 s20, s18;
	s21 =	sshrl.u32 s19, $0x3;
	s19 =	smov.u32 s0  }
0x13: {  	s18 =	sshrl.u32 s13, $0x3;
	s0 =	sshll.u32 s3, $0x7;
	[dreg:$0x7] =	wrdreg s10  }
0x14: {  	s10 =	sadd.s32 s20, s21;
	s21 =	sshll.u32 s9, $0x7;
	s13 =	sadd.s32 s23, s0  }
0x15: {  	[dreg:$0x8] =	wrdreg s10;
	s10 =	sadd.s32 s20, s24;
	s22 =	sadd.s32 s23, s21  }
0x16: {  	[dreg:$0x9] =	wrdreg s10;
	s10 =	sadd.s32 s20, s18;
	s18 =	sshll.u32 s5, $0x7  }
0x17: {  	[dreg:$0xa] =	wrdreg s10;
	s10 =	sshrl.u32 s22, $0x3;
	s22 =	sadd.s32 s23, s18  }
0x18: {  	s10 =	sadd.s32 s20, s10;
	s24 =	sshrl.u32 s22, $0x3;
	s22 =	sshrl.u32 s13, $0x3  }
0x19: {  	[dreg:$0xb] =	wrdreg s10;
	s10 =	sadd.s32 s20, s24;
	s24 =	sshll.u32 s2, $0x7  }
0x1a: {  	[dreg:$0xc] =	wrdreg s10;
	s10 =	sadd.s32 s20, s22;
	s13 =	sadd.s32 s23, s24  }
0x1b: {  	s22 =	sshll.u32 s1, $0x7;
	[dreg:$0xd] =	wrdreg s10;
	s10 =	sshrl.u32 s13, $0x3  }
0x1c: {  	s23 =	sadd.s32 s23, s22;
	s13 =	simm.s32 $0x0;
	s10 =	sadd.s32 s20, s10  }
0x1d: {  	s23 =	sshrl.u32 s23, $0x3;
	[smem:$0x7FF] =	sst s13;
	s13 =	sadd.s32 s26, s25  }
0x1e: {  	s25 =	sshrl.u32 s25, $0x3;
	[dreg:$0xe] =	wrdreg s10;
	s20 =	sadd.s32 s20, s23  }
0x1f: {  	s31 =	sadd.s32 s25, s31;
	[dreg:$0xf] =	wrdreg s20;
	s20 =	sshrl.u32 s13, $0x3  }
0x20: {  	s23 =	sadd.s32 s29, s11;
	[dreg:$0x18] =	wrdreg s31;
	s17 =	sadd.s32 s29, s20  }
0x21: {  	s13 =	sadd.s32 s29, s6;
	[dreg:$0x10] =	wrdreg s17;
	s17 =	sadd.s32 s25, s23  }
0x22: {  	s10 =	sadd.s32 s29, s12;
	s23 =	sadd.s32 s25, s13;
	[dreg:$0x11] =	wrdreg s17  }
0x23: {  	s13 =	sadd.s32 s29, s9;
	s17 =	sadd.s32 s25, s10;
	[dreg:$0x13] =	wrdreg s23  }
0x24: {  	s10 =	sadd.s32 s29, s4;
	s20 =	sadd.s32 s25, s13;
	[dreg:$0x12] =	wrdreg s17  }
0x25: {  	s17 =	sadd.s32 s25, s10;
	[dreg:$0x15] =	wrdreg s20  }
0x26: {  	s23 =	sadd.s32 s29, s5;
	[dreg:$0x14] =	wrdreg s17  }
0x27: {  	s20 =	sadd.s32 s25, s23;
	s17 =	rddreg [dreg:$0x0]  }
0x28: {  	s10 =	sadd.s32 s29, s3;
	[dreg:$0x16] =	wrdreg s20  }
0x29: {  	s20 =	rddreg [dreg:$0x3];
	s23 =	sadd.s32 s25, s10  }
0x2a: {  	s29 =	sadd.s32 s29, s1;
	[dreg:$0x17] =	wrdreg s23  }
0x2b: {  	s25 =	sadd.s32 s25, s29;
	s23 =	rddreg [dreg:$0x4]  }
0x2c: {  	s13 =	sadd.s32 s30, s28;
	[dreg:$0x19] =	wrdreg s25;
	s25 =	sadd.s32 s28, s8  }
0x2d: {  	s28 =	sadd.s32 $0xAA00, s8;
	_ =	strace $0x80000047;
	[dreg:$0x1a] =	wrdreg s13  }
0x2e: {  	s2 =	sshll.u32 s2, $0x3;
	s29 =	sadd.s32 $0xA800, s8;
	[dreg:$0x1b] =	wrdreg s28  }
0x2f: {  	s6 =	sshll.u32 s6, $0x3;
	s8 =	sadd.s32 $0xA600, s8;
	[dreg:$0x1c] =	wrdreg s29  }
0x30: {  	s31 =	simm.s32 $0x1;
	s16 =	sadd.s32 s16, s20;
	[dreg:$0x1d] =	wrdreg s8  }
0x31: {  	s13 =	sadd.s32 s15, s20;
	s15 =	sadd.s32 s26, s23;
	[dreg:$0x1e] =	wrdreg s16  }
0x32: {  	s4 =	sshll.u32 s4, $0x3;
	s6 =	sadd.s32 s6, s23;
	[smem:$0x7E9] =	sst s15  }
0x33: {  	s3 =	sshll.u32 s3, $0x3;
	s8 =	sadd.s32 s19, s20;
	[smem:$0x7EC] =	sst s6  }
0x34: {  	s1 =	sshll.u32 s1, $0x3;
	s4 =	sadd.s32 s4, s23;
	[smem:$0x7ED] =	sst s8  }
0x35: {  	s28 =	simm.s32 $0x64;
	s16 =	sadd.s32 s18, s20;
	[smem:$0x7EE] =	sst s4  }
0x36: {  	s18 =	sadd.s32 s22, s20;
	s22 =	sadd.s32 $0x600, s25;
	[smem:$0x7F1] =	sst s16  }
0x37: {  	s26 =	sshll.u32 s11, $0x3;
	s11 =	sadd.s32 s7, s20;
	[smem:$0x7F2] =	sst s22  }
0x38: {  	s29 =	sadd.s32 s0, s20;
	s7 =	sadd.s32 s24, s20;
	s24 =	sld [smem:$0x7F3]  }
0x39: {  	s30 =	sadd.s32 s3, s23;
	s3 =	simm.s32 $0x40;
	[smem:$0x7F6] =	sst s11  }
0x3a: {  	s28 =	simm.s32 @!p0 $0x39;
	s10 =	sadd.s32 s26, s23;
	[smem:$0x7F8] =	sst s29  }
0x3b: {  	s15 =	sshll.u32 s12, $0x3;
	s26 =	sadd.s32 s14, s20;
	[smem:$0x7F9] =	sst s30  }
0x3c: {  	s14 =	sadd.s32 s21, s20;
	s16 =	sadd.s32 s2, s23;
	[smem:$0x7FA] =	sst s7  }
0x3d: {  	s22 =	simm.s32 $0xA400;
	s21 =	simm.s32 $0x2;
	[smem:$0x7FC] =	sst s18  }
0x3e: {  	s2 =	simm.s32 $0x7400;
	s6 =	simm.s32 $0x6;
	[smem:$0x7EA] =	sst s10  }
0x3f: {  	s12 =	sadd.s32 s15, s23;
	[smem:$0x7EB] =	sst s26;
	s10 =	sshll.u32 s9, $0x3  }
0x40: {  	[smem:$0x7EF] =	sst s14;
	s15 =	sshll.u32 s5, $0x3;
	s14 =	sadd.s32 s1, s23  }
0x41: {  	s25 =	sadd.s32 $0xFFFFFFFF, s28;
	s26 =	sshll.u32 s28, $0x9;
	[smem:$0x7FB] =	sst s16  }
0x42: {  	s28 =	simm.s32 $0x6400;
	s1 =	simm.s32 $0x20;
	[smem:$0x7F5] =	sst s25  }
0x43: {  	s5 =	simm.s32 $0x9400;
	s9 =	simm.s32 $0x0;
	[dreg:$0x1f] =	wrdreg s12  }
0x44: {  	s4 =	sadd.s32 s10, s23;
	s19 =	sadd.s32 s15, s23;
	[smem:$0x7FD] =	sst s14  }
0x45: {  	s26 =	sadd.s32 $0xFFFFFE00, s26;
	s25 =	simm.s32 $0x4;
	[smem:$0x7F0] =	sst s4  }
0x46: {  	s0 =	smax.u32 s24, $0x1;
	s24 =	simm.s32 $0x3;
	[smem:$0x7F7] =	sst s19  }
0x47: {  	s4 =	simm.s32 $0x8400;
	[smem:$0x7F4] =	sst s0;
	s0 =	simm.s32 $0x5  }
.LBB2_1:
0x48: {  	s8 =	rddreg [dreg:$0x1b];
	s18 =	simm.s32 $0x0  }
0x49: {  	[tilespmem:s28], [sflag:$0x7] =	stream.linear.gather [hbm4b:s8+s18], $0x2000, $0x38;
	[tilespmem:$0x1FC00] =	vst v63  }
0x4a: {  	[smem:$0x7E8] =	sst s9;
	s10 =	smov.u32 s7;
	s18 =	simm.s32 $0x7  }
0x4b: {  	s7 =	smov.u32 s30;
	s30 =	smov.u32 s29;
	_ =	swait.ge [sflag:s18], $0x2000  }
0x4c: {  	s15 =	smov.u32 s12;
	s12 =	simm.s32 $0xA600;
	[sflag:s18] =	ssyncset.done $0x0  }
0x4d: {  	s9 =	simm.s32 $0x0;
	s8 =	rddreg [dreg:$0x1c];
	[sflag:s18] =	ssyncadd.s32 $0xFFFFE000  }
0x4e: {  	[tilespmem:s12], [sflag:$0x7] =	stream.linear.gather [hbm4b:s8+s9], $0x200, $0x38;
	[tilespmem:$0x1FC00] =	vst v63  }
0x4f: {  	s29 =	smov.u32 s19;
	s19 =	sld [smem:$0x7F1];
	_ =	swait.ge [sflag:s18], $0x200  }
0x50: {  	[sflag:s18] =	ssyncset.done $0x0  }
0x51: {  	s9 =	sld [smem:$0x7E9];
	[sflag:s18] =	ssyncadd.s32 $0xFFFFFE00  }
0x52: {  	[spmem:s13] =	stream.linear.scatter [tilespmem:s28], [sflag:$0x3], $0x2000, $0x38;
	[tilespmem:$0x1FC00] =	vst v63  }
0x53: {  	_ = 	snop  }
0x54: {  	[spmem:s9] =	stream.linear.scatter [tilespmem:s12], [sflag:$0x4], $0x200, $0x38;
	[tilespmem:$0x1FC00] =	vst v63  }
0x55: {  	s9 =	sld [smem:$0x7EA]  }
0x56: {  	[spmem:s11] =	stream.linear.scatter [tilespmem:s28], [sflag:$0x3], $0x2000, $0x38;
	[tilespmem:$0x1FC00] =	vst v63  }
0x57: {  	_ = 	snop  }
0x58: {  	[spmem:s9] =	stream.linear.scatter [tilespmem:s12], [sflag:$0x4], $0x200, $0x38;
	[tilespmem:$0x1FC00] =	vst v63  }
0x59: {  	s8 =	rddreg [dreg:$0x1e]  }
0x5a: {  	[spmem:s8] =	stream.linear.scatter [tilespmem:s28], [sflag:$0x3], $0x2000, $0x38;
	[tilespmem:$0x1FC00] =	vst v63  }
0x5b: {  	s18 =	smov.u32 s13;
	s13 =	sld [smem:$0x7EB]  }
0x5c: {  	[spmem:s15] =	stream.linear.scatter [tilespmem:s12], [sflag:$0x4], $0x200, $0x38;
	[tilespmem:$0x1FC00] =	vst v63  }
0x5d: {  	s15 =	sld [smem:$0x7EC]  }
0x5e: {  	[spmem:s13] =	stream.linear.scatter [tilespmem:s28], [sflag:$0x3], $0x2000, $0x38;
	[tilespmem:$0x1FC00] =	vst v63  }
0x5f: {  	s9 =	sld [smem:$0x7ED]  }
0x60: {  	[spmem:s15] =	stream.linear.scatter [tilespmem:s12], [sflag:$0x4], $0x200, $0x38;
	[tilespmem:$0x1FC00] =	vst v63  }
0x61: {  	s11 =	sld [smem:$0x7EE]  }
0x62: {  	[spmem:s9] =	stream.linear.scatter [tilespmem:s28], [sflag:$0x3], $0x2000, $0x38;
	[tilespmem:$0x1FC00] =	vst v63  }
0x63: {  	s13 =	sld [smem:$0x7EF]  }
0x64: {  	[spmem:s11] =	stream.linear.scatter [tilespmem:s12], [sflag:$0x4], $0x200, $0x38;
	[tilespmem:$0x1FC00] =	vst v63  }
0x65: {  	s15 =	sld [smem:$0x7F0]  }
0x66: {  	[spmem:s13] =	stream.linear.scatter [tilespmem:s28], [sflag:$0x3], $0x2000, $0x38;
	[tilespmem:$0x1FC00] =	vst v63  }
0x67: {  	_ = 	snop  }
0x68: {  	[spmem:s15] =	stream.linear.scatter [tilespmem:s12], [sflag:$0x4], $0x200, $0x38;
	[tilespmem:$0x1FC00] =	vst v63  }
0x69: {  	_ = 	snop  }
0x6a: {  	[spmem:s19] =	stream.linear.scatter [tilespmem:s28], [sflag:$0x3], $0x2000, $0x38;
	[tilespmem:$0x1FC00] =	vst v63  }
0x6b: {  	_ = 	snop  }
0x6c: {  	[spmem:s29] =	stream.linear.scatter [tilespmem:s12], [sflag:$0x4], $0x200, $0x38;
	[tilespmem:$0x1FC00] =	vst v63  }
0x6d: {  	_ = 	snop  }
0x6e: {  	[spmem:s30] =	stream.linear.scatter [tilespmem:s28], [sflag:$0x3], $0x2000, $0x38;
	[tilespmem:$0x1FC00] =	vst v63  }
0x6f: {  	_ = 	snop  }
0x70: {  	[spmem:s7] =	stream.linear.scatter [tilespmem:s12], [sflag:$0x4], $0x200, $0x38;
	[tilespmem:$0x1FC00] =	vst v63  }
0x71: {  	_ = 	snop  }
0x72: {  	[spmem:s10] =	stream.linear.scatter [tilespmem:s28], [sflag:$0x3], $0x2000, $0x38;
	[tilespmem:$0x1FC00] =	vst v63  }
0x73: {  	s19 =	sld [smem:$0x7FC]  }
0x74: {  	[spmem:s16] =	stream.linear.scatter [tilespmem:s12], [sflag:$0x4], $0x200, $0x38;
	[tilespmem:$0x1FC00] =	vst v63  }
0x75: {  	_ = 	snop  }
0x76: {  	[spmem:s19] =	stream.linear.scatter [tilespmem:s28], [sflag:$0x3], $0x2000, $0x38;
	[tilespmem:$0x1FC00] =	vst v63  }
0x77: {  	s29 =	rddreg [dreg:$0x1a]  }
0x78: {  	[spmem:s14] =	stream.linear.scatter [tilespmem:s12], [sflag:$0x4], $0x200, $0x38;
	[tilespmem:$0x1FC00] =	vst v63  }
0x79: {  	s30 =	simm.s32 $0x0;
	s10 =	sld [smem:$0x7F2]  }
0x7a: {  	[tilespmem:s30], [sflag:$0x1] =	stream.linear.gather [hbm4b:s29+s30], $0x3200, $0x38;
	[tilespmem:$0x1FC00] =	vst v63  }
0x7b: {  	s11 =	simm.s32 $0x3200  }
0x7c: {  	[tilespmem:s11], [sflag:$0x2] =	stream.linear.gather [hbm4b:s10+s30], $0x3200, $0x38;
	[tilespmem:$0x1FC00] =	vst v63  }
0x7d: {  	s12 =	rddreg [dreg:$0x1d]  }
0x7e: {  	[tilespmem:s22], [sflag:$0x5] =	stream.linear.gather [hbm4b:s12+s30], $0x200, $0x38;
	[tilespmem:$0x1FC00] =	vst v63  }
0x7f: {  	_ =	swait.ge [sflag:s24], $0x2000  }
0x80: {  	[sflag:s24] =	ssyncset.done $0x0  }
0x81: {  	[sflag:s24] =	ssyncadd.s32 $0xFFFFE000  }
0x82: {  	_ =	swait.ge [sflag:s25], $0x200  }
0x83: {  	[sflag:s25] =	ssyncset.done $0x0  }
0x84: {  	[sflag:s25] =	ssyncadd.s32 $0xFFFFFE00  }
0x85: {  	_ =	swait.ge [sflag:s24], $0x2000  }
0x86: {  	[sflag:s24] =	ssyncset.done $0x0  }
0x87: {  	[sflag:s24] =	ssyncadd.s32 $0xFFFFE000  }
0x88: {  	_ =	swait.ge [sflag:s25], $0x200  }
0x89: {  	[sflag:s25] =	ssyncset.done $0x0  }
0x8a: {  	[sflag:s25] =	ssyncadd.s32 $0xFFFFFE00  }
0x8b: {  	_ =	swait.ge [sflag:s24], $0x2000  }
0x8c: {  	[sflag:s24] =	ssyncset.done $0x0  }
0x8d: {  	[sflag:s24] =	ssyncadd.s32 $0xFFFFE000  }
0x8e: {  	_ =	swait.ge [sflag:s25], $0x200  }
0x8f: {  	[sflag:s25] =	ssyncset.done $0x0  }
0x90: {  	[sflag:s25] =	ssyncadd.s32 $0xFFFFFE00  }
0x91: {  	_ =	swait.ge [sflag:s24], $0x2000  }
0x92: {  	[sflag:s24] =	ssyncset.done $0x0  }
0x93: {  	[sflag:s24] =	ssyncadd.s32 $0xFFFFE000  }
0x94: {  	_ =	swait.ge [sflag:s25], $0x200  }
0x95: {  	[sflag:s25] =	ssyncset.done $0x0  }
0x96: {  	[sflag:s25] =	ssyncadd.s32 $0xFFFFFE00  }
0x97: {  	_ =	swait.ge [sflag:s24], $0x2000  }
0x98: {  	[sflag:s24] =	ssyncset.done $0x0  }
0x99: {  	[sflag:s24] =	ssyncadd.s32 $0xFFFFE000  }
0x9a: {  	_ =	swait.ge [sflag:s25], $0x200  }
0x9b: {  	[sflag:s25] =	ssyncset.done $0x0  }
0x9c: {  	[sflag:s25] =	ssyncadd.s32 $0xFFFFFE00  }
0x9d: {  	_ =	swait.ge [sflag:s24], $0x2000  }
0x9e: {  	[sflag:s24] =	ssyncset.done $0x0  }
0x9f: {  	[sflag:s24] =	ssyncadd.s32 $0xFFFFE000  }
0xa0: {  	_ =	swait.ge [sflag:s25], $0x200  }
0xa1: {  	[sflag:s25] =	ssyncset.done $0x0  }
0xa2: {  	[sflag:s25] =	ssyncadd.s32 $0xFFFFFE00  }
0xa3: {  	_ =	swait.ge [sflag:s24], $0x2000  }
0xa4: {  	[sflag:s24] =	ssyncset.done $0x0  }
0xa5: {  	[sflag:s24] =	ssyncadd.s32 $0xFFFFE000  }
0xa6: {  	_ =	swait.ge [sflag:s25], $0x200  }
0xa7: {  	[sflag:s25] =	ssyncset.done $0x0  }
0xa8: {  	[sflag:s25] =	ssyncadd.s32 $0xFFFFFE00  }
0xa9: {  	_ =	swait.ge [sflag:s24], $0x2000  }
0xaa: {  	[sflag:s24] =	ssyncset.done $0x0  }
0xab: {  	[sflag:s24] =	ssyncadd.s32 $0xFFFFE000  }
0xac: {  	_ =	swait.ge [sflag:s25], $0x200  }
0xad: {  	[sflag:s25] =	ssyncset.done $0x0  }
0xae: {  	[sflag:s25] =	ssyncadd.s32 $0xFFFFFE00  }
0xaf: {  	_ =	swait.ge [sflag:s24], $0x2000  }
0xb0: {  	[sflag:s24] =	ssyncset.done $0x0  }
0xb1: {  	[sflag:s24] =	ssyncadd.s32 $0xFFFFE000  }
0xb2: {  	_ =	swait.ge [sflag:s25], $0x200  }
0xb3: {  	[sflag:s25] =	ssyncset.done $0x0  }
0xb4: {  	[sflag:s25] =	ssyncadd.s32 $0xFFFFFE00  }
0xb5: {  	_ =	swait.ge [sflag:s24], $0x2000  }
0xb6: {  	[sflag:s24] =	ssyncset.done $0x0  }
0xb7: {  	[sflag:s24] =	ssyncadd.s32 $0xFFFFE000  }
0xb8: {  	_ =	swait.ge [sflag:s25], $0x200  }
0xb9: {  	[sflag:s25] =	ssyncset.done $0x0  }
0xba: {  	[sflag:s25] =	ssyncadd.s32 $0xFFFFFE00  }
0xbb: {  	_ =	swait.ge [sflag:s31], $0x3200  }
0xbc: {  	[sflag:s31] =	ssyncset.done $0x0  }
0xbd: {  	[sflag:s31] =	ssyncadd.s32 $0xFFFFCE00  }
0xbe: {  	_ =	swait.ge [sflag:s21], $0x3200  }
0xbf: {  	[sflag:s21] =	ssyncset.done $0x0  }
0xc0: {  	[sflag:s21] =	ssyncadd.s32 $0xFFFFCE00  }
0xc1: {  	_ =	swait.ge [sflag:s0], $0x200  }
0xc2: {  	[sflag:s0] =	ssyncset.done $0x0  }
0xc3: {  	[sflag:s0] =	ssyncadd.s32 $0xFFFFFE00  }
0xc4: {  	s13 =	simm.s32 $0x0;
	[bflag:$0x0] =	sbarrier.arrive $0xFFFF  }
0xc5: {  	[tilespmem:s28], [sflag:$0x1] =	stream.indirect.gather [hbm4b:s17+s1], $0x80, s13, s1, $0xb8;
	[tilespmem:$0x1FC00] =	vst v63  }
0xc6: {  	_ = 	snop  }
0xc7: {  	[tilespmem:s2], [sflag:$0x1] =	stream.indirect.gather [hbm4b:s17+s1], $0x80, s1, s1, $0xb8;
	[tilespmem:$0x1FC00] =	vst v63  }
0xc8: {  	_ =	swait.ge [sflag:s31], $0x1000  }
0xc9: {  	[sflag:s31] =	ssyncset.done $0x0  }
0xca: {  	[sflag:s31] =	ssyncadd.s32 $0xFFFFF000  }
0xcb: {  	_ =	swait.ge [sflag:s31], $0x1000  }
0xcc: {  	[sflag:s31] =	ssyncset.done $0x0  }
0xcd: {  	s14 =	simm.s32 $0x3200;
	[sflag:s31] =	ssyncadd.s32 $0xFFFFF000  }
0xce: {  	[spmem:s20] =	stream.indirect.scatter.add.f32 [tilespmem:s28], [sflag:$0x3], $0x80, s14, s3, $0xb8;
	[tilespmem:$0x1FC00] =	vst v63  }
0xcf: {  	_ = 	snop  }
0xd0: {  	[spmem:s23] =	stream.indirect.scatter.add.f32 [tilespmem:s22], [sflag:$0x5], $0x8, s14, s3, $0xb8;
	[tilespmem:$0x1FC00] =	vst v63  }
0xd1: {  	s15 =	simm.s32 $0x40  }
0xd2: {  	[tilespmem:s4], [sflag:$0x2] =	stream.indirect.gather [hbm4b:s17+s1], $0x80, s15, s1, $0xb8;
	[tilespmem:$0x1FC00] =	vst v63  }
0xd3: {  	s16 =	simm.s32 $0x60  }
0xd4: {  	[tilespmem:s5], [sflag:$0x2] =	stream.indirect.gather [hbm4b:s17+s1], $0x80, s16, s1, $0xb8;
	[tilespmem:$0x1FC00] =	vst v63  }
0xd5: {  	_ =	swait.ge [sflag:s21], $0x1000  }
0xd6: {  	[sflag:s21] =	ssyncset.done $0x0  }
0xd7: {  	[sflag:s21] =	ssyncadd.s32 $0xFFFFF000  }
0xd8: {  	_ =	swait.ge [sflag:s21], $0x1000  }
0xd9: {  	[sflag:s21] =	ssyncset.done $0x0  }
0xda: {  	s19 =	simm.s32 $0x3240;
	[sflag:s21] =	ssyncadd.s32 $0xFFFFF000  }
0xdb: {  	[spmem:s20] =	stream.indirect.scatter.add.f32 [tilespmem:s4], [sflag:$0x4], $0x80, s19, s3, $0xb8;
	[tilespmem:$0x1FC00] =	vst v63  }
0xdc: {  	_ = 	snop  }
0xdd: {  	[spmem:s23] =	stream.indirect.scatter.add.f32 [tilespmem:s22], [sflag:$0x6], $0x8, s19, s3, $0xb8;
	[tilespmem:$0x1FC00] =	vst v63  }
0xde: {  	_ =	swait.ge [sflag:s24], $0x2000  }
0xdf: {  	[sflag:s24] =	ssyncset.done $0x0  }
0xe0: {  	[sflag:s24] =	ssyncadd.s32 $0xFFFFE000  }
0xe1: {  	_ =	swait.ge [sflag:s0], $0x200  }
0xe2: {  	[sflag:s0] =	ssyncset.done $0x0  }
0xe3: {  	s29 =	simm.s32 $0x80;
	[sflag:s0] =	ssyncadd.s32 $0xFFFFFE00  }
0xe4: {  	[tilespmem:s28], [sflag:$0x1] =	stream.indirect.gather [hbm4b:s17+s1], $0x80, s29, s1, $0xb8;
	[tilespmem:$0x1FC00] =	vst v63  }
0xe5: {  	p0 =	sne.s32 s26, $0x200;
	s30 =	simm.s32 $0xA0  }
0xe6: {  	[tilespmem:s2], [sflag:$0x1] =	stream.indirect.gather [hbm4b:s17+s1], $0x80, s30, s1, $0xb8;
	[tilespmem:$0x1FC00] =	vst v63  }
.Ltmp0:
0xe7: {  	_ =	swait.ge [sflag:s25], $0x2000;
	(pc) =	sbr.rel @!p0 .LBB2_3-.Ltmp0, $4  }
0xe8: {  	[sflag:s25] =	ssyncset.done $0x0  }
0xe9: {  	[sflag:s25] =	ssyncadd.s32 $0xFFFFE000  }
0xea: {  	_ =	swait.ge [sflag:s6], $0x200  }
0xeb: {  	s8 =	simm.s32 $0x200;
	s9 =	simm.s32 $0x0;
	[sflag:s6] =	ssyncset.done $0x0  }
.LBB2_2:
0xec: {  	[sflag:s6] =	ssyncadd.s32 $0xFFFFFE00  }
0xed: {  	s9 =	sadd.s32 $0x1, s9;
	s11 =	smov.u32 s8;
	s8 =	sadd.s32 $0x200, s8  }
0xee: {  	_ =	swait.ge [sflag:s31], $0x1000;
	p0 =	sne.s32 s26, s8  }
0xef: {  	[sflag:s31] =	ssyncset.done $0x0  }
0xf0: {  	[sflag:s31] =	ssyncadd.s32 $0xFFFFF000  }
0xf1: {  	_ =	swait.ge [sflag:s31], $0x1000  }
0xf2: {  	s11 =	sshra.s32 s11, $0x2;
	[sflag:s31] =	ssyncset.done $0x0  }
0xf3: {  	s12 =	sadd.s32 $0x3200, s11;
	[sflag:s31] =	ssyncadd.s32 $0xFFFFF000  }
0xf4: {  	[spmem:s20] =	stream.indirect.scatter.add.f32 [tilespmem:s28], [sflag:$0x3], $0x80, s12, s3, $0xb8;
	[tilespmem:$0x1FC00] =	vst v63  }
0xf5: {  	_ = 	snop  }
0xf6: {  	[spmem:s23] =	stream.indirect.scatter.add.f32 [tilespmem:s22], [sflag:$0x5], $0x8, s12, s3, $0xb8;
	[tilespmem:$0x1FC00] =	vst v63  }
0xf7: {  	s12 =	sadd.s32 $0x40, s11  }
0xf8: {  	[tilespmem:s4], [sflag:$0x2] =	stream.indirect.gather [hbm4b:s17+s1], $0x80, s12, s1, $0xb8;
	[tilespmem:$0x1FC00] =	vst v63  }
0xf9: {  	s12 =	sadd.s32 $0x60, s11  }
0xfa: {  	[tilespmem:s5], [sflag:$0x2] =	stream.indirect.gather [hbm4b:s17+s1], $0x80, s12, s1, $0xb8;
	[tilespmem:$0x1FC00] =	vst v63  }
0xfb: {  	_ =	swait.ge [sflag:s21], $0x1000  }
0xfc: {  	[sflag:s21] =	ssyncset.done $0x0  }
0xfd: {  	[sflag:s21] =	ssyncadd.s32 $0xFFFFF000  }
0xfe: {  	_ =	swait.ge [sflag:s21], $0x1000  }
0xff: {  	[sflag:s21] =	ssyncset.done $0x0  }
0x100: {  	s12 =	sadd.s32 $0x3240, s11;
	[sflag:s21] =	ssyncadd.s32 $0xFFFFF000  }
0x101: {  	[spmem:s20] =	stream.indirect.scatter.add.f32 [tilespmem:s4], [sflag:$0x4], $0x80, s12, s3, $0xb8;
	[tilespmem:$0x1FC00] =	vst v63  }
0x102: {  	_ = 	snop  }
0x103: {  	[spmem:s23] =	stream.indirect.scatter.add.f32 [tilespmem:s22], [sflag:$0x6], $0x8, s12, s3, $0xb8;
	[tilespmem:$0x1FC00] =	vst v63  }
0x104: {  	_ =	swait.ge [sflag:s24], $0x2000  }
0x105: {  	[sflag:s24] =	ssyncset.done $0x0  }
0x106: {  	[sflag:s24] =	ssyncadd.s32 $0xFFFFE000  }
0x107: {  	_ =	swait.ge [sflag:s0], $0x200  }
0x108: {  	[sflag:s0] =	ssyncset.done $0x0  }
0x109: {  	s12 =	sadd.s32 $0x80, s11;
	[sflag:s0] =	ssyncadd.s32 $0xFFFFFE00  }
0x10a: {  	[tilespmem:s28], [sflag:$0x1] =	stream.indirect.gather [hbm4b:s17+s1], $0x80, s12, s1, $0xb8;
	[tilespmem:$0x1FC00] =	vst v63  }
0x10b: {  	s11 =	sadd.s32 $0xA0, s11  }
0x10c: {  	[tilespmem:s2], [sflag:$0x1] =	stream.indirect.gather [hbm4b:s17+s1], $0x80, s11, s1, $0xb8;
	[tilespmem:$0x1FC00] =	vst v63  }
.Ltmp1:
0x10d: {  	_ =	swait.ge [sflag:s25], $0x2000;
	(pc) =	sbr.rel @p0 .LBB2_2-.Ltmp1, $4  }
0x10e: {  	[sflag:s25] =	ssyncset.done $0x0  }
0x10f: {  	[sflag:s25] =	ssyncadd.s32 $0xFFFFE000  }
0x110: {  	_ =	swait.ge [sflag:s6], $0x200  }
0x111: {  	[sflag:s6] =	ssyncset.done $0x0  }
.LBB2_3:
0x112: {  	[sflag:s6] =	ssyncadd.s32 $0xFFFFFE00  }
0x113: {  	_ =	swait.ge [sflag:s31], $0x1000  }
0x114: {  	[sflag:s31] =	ssyncset.done $0x0  }
0x115: {  	[sflag:s31] =	ssyncadd.s32 $0xFFFFF000  }
0x116: {  	_ =	swait.ge [sflag:s31], $0x1000  }
0x117: {  	s11 =	sshra.s32 s8, $0x2;
	[sflag:s31] =	ssyncset.done $0x0  }
0x118: {  	s12 =	sadd.s32 $0x3200, s11;
	[sflag:s31] =	ssyncadd.s32 $0xFFFFF000  }
0x119: {  	[spmem:s20] =	stream.indirect.scatter.add.f32 [tilespmem:s28], [sflag:$0x3], $0x80, s12, s3, $0xb8;
	[tilespmem:$0x1FC00] =	vst v63  }
0x11a: {  	_ = 	snop  }
0x11b: {  	[spmem:s23] =	stream.indirect.scatter.add.f32 [tilespmem:s22], [sflag:$0x5], $0x8, s12, s3, $0xb8;
	[tilespmem:$0x1FC00] =	vst v63  }
0x11c: {  	s15 =	sadd.s32 $0x40, s11  }
0x11d: {  	[tilespmem:s4], [sflag:$0x2] =	stream.indirect.gather [hbm4b:s17+s1], $0x80, s15, s1, $0xb8;
	[tilespmem:$0x1FC00] =	vst v63  }
0x11e: {  	s16 =	sadd.s32 $0x60, s11  }
0x11f: {  	[tilespmem:s5], [sflag:$0x2] =	stream.indirect.gather [hbm4b:s17+s1], $0x80, s16, s1, $0xb8;
	[tilespmem:$0x1FC00] =	vst v63  }
0x120: {  	_ =	swait.ge [sflag:s21], $0x1000  }
0x121: {  	[sflag:s21] =	ssyncset.done $0x0  }
0x122: {  	[sflag:s21] =	ssyncadd.s32 $0xFFFFF000  }
0x123: {  	_ =	swait.ge [sflag:s21], $0x1000  }
0x124: {  	[sflag:s21] =	ssyncset.done $0x0  }
0x125: {  	s11 =	sadd.s32 $0x3240, s11;
	[sflag:s21] =	ssyncadd.s32 $0xFFFFF000  }
0x126: {  	[spmem:s20] =	stream.indirect.scatter.add.f32 [tilespmem:s4], [sflag:$0x4], $0x80, s11, s3, $0xb8;
	[tilespmem:$0x1FC00] =	vst v63  }
0x127: {  	_ = 	snop  }
0x128: {  	[spmem:s23] =	stream.indirect.scatter.add.f32 [tilespmem:s22], [sflag:$0x6], $0x8, s11, s3, $0xb8;
	[tilespmem:$0x1FC00] =	vst v63  }
0x129: {  	_ =	swait.ge [sflag:s24], $0x2000  }
0x12a: {  	[sflag:s24] =	ssyncset.done $0x0  }
0x12b: {  	[sflag:s24] =	ssyncadd.s32 $0xFFFFE000  }
0x12c: {  	_ =	swait.ge [sflag:s0], $0x200  }
0x12d: {  	s7 =	sld [smem:$0x7F5];
	_ =	sdelay $0x1  }
0x12e: {  	s9 =	sadd.s32 $0x1, s9  }
0x12f: {  	[sflag:s0] =	ssyncset.done $0x0;
	p0 =	sge.u32 s9, s7  }
0x130: {  	[sflag:s0] =	ssyncadd.s32 $0xFFFFFE00;
	s8 =	sshra.s32 @!p0 s8, $0x2  }
0x131: {  	s11 =	simm.s32 @!p0 $0x20;
	s12 =	simm.s32 @!p0 $0x6400;
	s9 =	sadd.s32 @!p0 $0x80, s8  }
0x132: {  	[tilespmem:s12], [sflag:$0x1] =	stream.indirect.gather @!p0 [hbm4b:s17+s11], $0x80, s9, s11, $0xb8;
	[tilespmem:$0x1FC00] =	vst v63  }
0x133: {  	s8 =	sadd.s32 @!p0 $0xA0, s8;
	s9 =	simm.s32 @!p0 $0x7400  }
0x134: {  	[tilespmem:s9], [sflag:$0x1] =	stream.indirect.gather @!p0 [hbm4b:s17+s11], $0x80, s8, s11, $0xb8;
	[tilespmem:$0x1FC00] =	vst v63  }
0x135: {  	_ =	swait.ge [sflag:s25], $0x2000  }
0x136: {  	[sflag:s25] =	ssyncset.done $0x0  }
0x137: {  	[sflag:s25] =	ssyncadd.s32 $0xFFFFE000  }
0x138: {  	_ =	swait.ge [sflag:s6], $0x200  }
0x139: {  	[sflag:s6] =	ssyncset.done $0x0  }
0x13a: {  	s19 =	stileid.u32;
	[sflag:s6] =	ssyncadd.s32 $0xFFFFFE00  }
0x13b: {  	s8 =	sshll.u32 s19, $0x6;
	[bflag:$0x0] =	sbarrier.arrive $0xFFFF  }
0x13c: {  	s7 =	sshrl.u32 s18, $0x3;
	s9 =	sor.u32 $0x1C03, s8;
	s10 =	rddreg [dreg:$0x6]  }
0x13d: {  	[hbm:s10], [sflag:s9] =	dma.local [spmem:s7], $0x400  }
0x13e: {  	s14 =	sld [smem:$0x7E9];
	_ =	sdelay $0x2  }
0x13f: {  	s8 =	sor.u32 $0x1C04, s8;
	s12 =	rddreg [dreg:$0x10];
	s15 =	sshrl.u32 s14, $0x3  }
0x140: {  	[hbm:s12], [sflag:s8] =	dma.local [spmem:s15], $0x40  }
0x141: {  	s13 =	smov.u32 s18;
	s18 =	sld [smem:$0x7F6];
	_ =	sdelay $0x2  }
0x142: {  	s12 =	rddreg [dreg:$0x7];
	s16 =	sshrl.u32 s18, $0x3  }
0x143: {  	[hbm:s12], [sflag:s9] =	dma.local [spmem:s16], $0x400  }
0x144: {  	s19 =	sld [smem:$0x7EA];
	_ =	sdelay $0x2  }
0x145: {  	s12 =	rddreg [dreg:$0x11];
	s10 =	sshrl.u32 s19, $0x3  }
0x146: {  	[hbm:s12], [sflag:s8] =	dma.local [spmem:s10], $0x40  }
0x147: {  	s14 =	rddreg [dreg:$0x1e]  }
0x148: {  	s12 =	rddreg [dreg:$0x8];
	s15 =	sshrl.u32 s14, $0x3  }
0x149: {  	[hbm:s12], [sflag:s9] =	dma.local [spmem:s15], $0x400  }
0x14a: {  	s14 =	rddreg [dreg:$0x1f]  }
0x14b: {  	s12 =	rddreg [dreg:$0x12];
	s16 =	sshrl.u32 s14, $0x3  }
0x14c: {  	[hbm:s12], [sflag:s8] =	dma.local [spmem:s16], $0x40  }
0x14d: {  	s19 =	sld [smem:$0x7EB];
	_ =	sdelay $0x2  }
0x14e: {  	s12 =	rddreg [dreg:$0x9];
	s10 =	sshrl.u32 s19, $0x3  }
0x14f: {  	[hbm:s12], [sflag:s9] =	dma.local [spmem:s10], $0x400  }
0x150: {  	s15 =	sld [smem:$0x7EC];
	_ =	sdelay $0x2  }
0x151: {  	s12 =	rddreg [dreg:$0x13];
	s16 =	sshrl.u32 s15, $0x3  }
0x152: {  	[hbm:s12], [sflag:s8] =	dma.local [spmem:s16], $0x40  }
0x153: {  	s19 =	sld [smem:$0x7ED];
	_ =	sdelay $0x2  }
0x154: {  	s12 =	rddreg [dreg:$0xa];
	s10 =	sshrl.u32 s19, $0x3  }
0x155: {  	[hbm:s12], [sflag:s9] =	dma.local [spmem:s10], $0x400  }
0x156: {  	s15 =	sld [smem:$0x7EE];
	_ =	sdelay $0x2  }
0x157: {  	s12 =	rddreg [dreg:$0x14];
	s16 =	sshrl.u32 s15, $0x3  }
0x158: {  	[hbm:s12], [sflag:s8] =	dma.local [spmem:s16], $0x40  }
0x159: {  	s19 =	sld [smem:$0x7EF];
	_ =	sdelay $0x2  }
0x15a: {  	s12 =	rddreg [dreg:$0xb];
	s10 =	sshrl.u32 s19, $0x3  }
0x15b: {  	[hbm:s12], [sflag:s9] =	dma.local [spmem:s10], $0x400  }
0x15c: {  	s12 =	sld [smem:$0x7F0];
	_ =	sdelay $0x2  }
0x15d: {  	s15 =	sshrl.u32 s12, $0x3;
	s12 =	rddreg [dreg:$0x15]  }
0x15e: {  	[hbm:s12], [sflag:s8] =	dma.local [spmem:s15], $0x40  }
0x15f: {  	s16 =	sld [smem:$0x7F1];
	_ =	sdelay $0x2  }
0x160: {  	s12 =	rddreg [dreg:$0xc];
	s19 =	sshrl.u32 s16, $0x3  }
0x161: {  	[hbm:s12], [sflag:s9] =	dma.local [spmem:s19], $0x400  }
0x162: {  	s19 =	sld [smem:$0x7F7];
	_ =	sdelay $0x2  }
0x163: {  	s12 =	rddreg [dreg:$0x16];
	s7 =	sshrl.u32 s19, $0x3  }
0x164: {  	[hbm:s12], [sflag:s8] =	dma.local [spmem:s7], $0x40  }
0x165: {  	s29 =	sld [smem:$0x7F8];
	_ =	sdelay $0x2  }
0x166: {  	s12 =	rddreg [dreg:$0xd];
	s10 =	sshrl.u32 s29, $0x3  }
0x167: {  	[hbm:s12], [sflag:s9] =	dma.local [spmem:s10], $0x400  }
0x168: {  	s30 =	sld [smem:$0x7F9];
	_ =	sdelay $0x2  }
0x169: {  	s12 =	rddreg [dreg:$0x17];
	s15 =	sshrl.u32 s30, $0x3  }
0x16a: {  	[hbm:s12], [sflag:s8] =	dma.local [spmem:s15], $0x40  }
0x16b: {  	s7 =	sld [smem:$0x7FA];
	_ =	sdelay $0x2  }
0x16c: {  	s12 =	rddreg [dreg:$0xe];
	s16 =	sshrl.u32 s7, $0x3  }
0x16d: {  	[hbm:s12], [sflag:s9] =	dma.local [spmem:s16], $0x400  }
0x16e: {  	s16 =	sld [smem:$0x7FB];
	_ =	sdelay $0x2  }
0x16f: {  	s12 =	rddreg [dreg:$0x18];
	s10 =	sshrl.u32 s16, $0x3  }
0x170: {  	[hbm:s12], [sflag:s8] =	dma.local [spmem:s10], $0x40  }
0x171: {  	s15 =	sld [smem:$0x7FC];
	_ =	sdelay $0x2  }
0x172: {  	s12 =	rddreg [dreg:$0xf];
	s15 =	sshrl.u32 s15, $0x3  }
0x173: {  	[hbm:s12], [sflag:s9] =	dma.local [spmem:s15], $0x400  }
0x174: {  	s12 =	smov.u32 s14;
	s14 =	sld [smem:$0x7FD];
	_ =	sdelay $0x2  }
0x175: {  	s11 =	rddreg [dreg:$0x19];
	s10 =	sshrl.u32 s14, $0x3  }
0x176: {  	[hbm:s11], [sflag:s8] =	dma.local [spmem:s10], $0x40  }
0x177: {  	_ =	swait.ge [sflag:s24], $0x400  }
0x178: {  	[sflag:s24] =	ssyncset.done $0x0  }
0x179: {  	[sflag:s24] =	ssyncadd.s32 $0xFFFFFC00  }
0x17a: {  	_ =	swait.ge [sflag:s25], $0x40  }
0x17b: {  	[sflag:s25] =	ssyncset.done $0x0  }
0x17c: {  	[sflag:s25] =	ssyncadd.s32 $0xFFFFFFC0  }
0x17d: {  	_ =	swait.ge [sflag:s24], $0x400  }
0x17e: {  	[sflag:s24] =	ssyncset.done $0x0  }
0x17f: {  	[sflag:s24] =	ssyncadd.s32 $0xFFFFFC00  }
0x180: {  	_ =	swait.ge [sflag:s25], $0x40  }
0x181: {  	[sflag:s25] =	ssyncset.done $0x0  }
0x182: {  	[sflag:s25] =	ssyncadd.s32 $0xFFFFFFC0  }
0x183: {  	_ =	swait.ge [sflag:s24], $0x400  }
0x184: {  	[sflag:s24] =	ssyncset.done $0x0  }
0x185: {  	[sflag:s24] =	ssyncadd.s32 $0xFFFFFC00  }
0x186: {  	_ =	swait.ge [sflag:s25], $0x40  }
0x187: {  	[sflag:s25] =	ssyncset.done $0x0  }
0x188: {  	[sflag:s25] =	ssyncadd.s32 $0xFFFFFFC0  }
0x189: {  	_ =	swait.ge [sflag:s24], $0x400  }
0x18a: {  	[sflag:s24] =	ssyncset.done $0x0  }
0x18b: {  	[sflag:s24] =	ssyncadd.s32 $0xFFFFFC00  }
0x18c: {  	_ =	swait.ge [sflag:s25], $0x40  }
0x18d: {  	[sflag:s25] =	ssyncset.done $0x0  }
0x18e: {  	[sflag:s25] =	ssyncadd.s32 $0xFFFFFFC0  }
0x18f: {  	_ =	swait.ge [sflag:s24], $0x400  }
0x190: {  	[sflag:s24] =	ssyncset.done $0x0  }
0x191: {  	[sflag:s24] =	ssyncadd.s32 $0xFFFFFC00  }
0x192: {  	_ =	swait.ge [sflag:s25], $0x40  }
0x193: {  	[sflag:s25] =	ssyncset.done $0x0  }
0x194: {  	[sflag:s25] =	ssyncadd.s32 $0xFFFFFFC0  }
0x195: {  	_ =	swait.ge [sflag:s24], $0x400  }
0x196: {  	[sflag:s24] =	ssyncset.done $0x0  }
0x197: {  	[sflag:s24] =	ssyncadd.s32 $0xFFFFFC00  }
0x198: {  	_ =	swait.ge [sflag:s25], $0x40  }
0x199: {  	[sflag:s25] =	ssyncset.done $0x0  }
0x19a: {  	[sflag:s25] =	ssyncadd.s32 $0xFFFFFFC0  }
0x19b: {  	_ =	swait.ge [sflag:s24], $0x400  }
0x19c: {  	[sflag:s24] =	ssyncset.done $0x0  }
0x19d: {  	[sflag:s24] =	ssyncadd.s32 $0xFFFFFC00  }
0x19e: {  	_ =	swait.ge [sflag:s25], $0x40  }
0x19f: {  	[sflag:s25] =	ssyncset.done $0x0  }
0x1a0: {  	[sflag:s25] =	ssyncadd.s32 $0xFFFFFFC0  }
0x1a1: {  	_ =	swait.ge [sflag:s24], $0x400  }
0x1a2: {  	[sflag:s24] =	ssyncset.done $0x0  }
0x1a3: {  	[sflag:s24] =	ssyncadd.s32 $0xFFFFFC00  }
0x1a4: {  	_ =	swait.ge [sflag:s25], $0x40  }
0x1a5: {  	[sflag:s25] =	ssyncset.done $0x0  }
0x1a6: {  	[sflag:s25] =	ssyncadd.s32 $0xFFFFFFC0  }
0x1a7: {  	_ =	swait.ge [sflag:s24], $0x400  }
0x1a8: {  	[sflag:s24] =	ssyncset.done $0x0  }
0x1a9: {  	[sflag:s24] =	ssyncadd.s32 $0xFFFFFC00  }
0x1aa: {  	_ =	swait.ge [sflag:s25], $0x40  }
0x1ab: {  	[sflag:s25] =	ssyncset.done $0x0  }
0x1ac: {  	[sflag:s25] =	ssyncadd.s32 $0xFFFFFFC0  }
0x1ad: {  	_ =	swait.ge [sflag:s24], $0x400  }
0x1ae: {  	[sflag:s24] =	ssyncset.done $0x0  }
0x1af: {  	[sflag:s24] =	ssyncadd.s32 $0xFFFFFC00  }
0x1b0: {  	_ =	swait.ge [sflag:s25], $0x40  }
0x1b1: {  	s15 =	sld [smem:$0x7E8]  }
0x1b2: {  	s11 =	smov.u32 s18;
	s18 =	sld [smem:$0x7F4];
	_ =	sdelay $0x1  }
0x1b3: {  	s9 =	sadd.s32 $0x1, s15  }
0x1b4: {  	p0 =	sne.s32 s9, s18  }
.Ltmp2:
0x1b5: {  	_ = 	snop;
	(pc) =	sbr.rel @p0 .LBB2_1-.Ltmp2, $3  }
0x1b6: {  	_ =	sdelay $0x1  }
0x1b7: {  	[sflag:s25] =	ssyncset.done $0x0  }
0x1b8: {  	[sflag:s25] =	ssyncadd.s32 $0xFFFFFFC0  }
0x1b9: {  	_ =	sfence.sel $0x180000  }
0x1ba: {  	[bflag:$0x0] =	sbarrier.arrive $0xFFFF  }
0x1bb: {  	_ =	strace $0x90000047  }
0x1bc: {  	s0 =	stileid.u32;
	[bflag:$0x2] =	sbarrier.arrive $0xFFFF  }
0x1bd: {  	p0 =	sne.s32 s0, $0x0;
	s0 =	rddreg [dreg:$0x5]  }
0x1be: {  	s0 =	sadd.s32 @!p0 $0x100000, s0  }
0x1bf: {  	[sflag:s0] =	ssyncadd.tile.s32 @!p0 $0x1;
	_ =	shalt  }
.Lfunc_end2:
_tile_overlayer_lowered:
.L_overlay_start_2:
0x1c0: {  	(tag) =	ssettag $0x2  }
0x1c1: {  	s0 =	rddreg [dreg:$0x0];
	s2 =	stileid.u32  }
0x1c2: {  	s1 =	rddreg [dreg:$0x1];
	p0 =	sne.s32 s2, $0x0  }
0x1c3: {  	s3 =	rddreg [dreg:$0x2];
	[bflag:$0x3] =	sbarrier.arrive $0xFFFF;
	s2 =	simm.s32 @!p0 $0x1C07  }
0x1c4: {  	[timem:s3], [sflag:s2] =	dma.local @!p0 [hbm:s0], s1  }
0x1c5: {  	s0 =	simm.s32 @!p0 $0x7  }
0x1c6: {  	_ =	swait.ge @!p0 [sflag:s0], s1  }
0x1c7: {  	s1 =	ssub.s32 @!p0 $0x0, s1;
	[sflag:s0] =	ssyncset.done @!p0 $0x0  }
0x1c8: {  	[sflag:s0] =	ssyncadd.s32 @!p0 s1  }
0x1c9: {  	[bflag:$0x3] =	sbarrier.arrive $0xFFFF  }
0x1ca: {  	_ =	shalt  }

</sc_bundles>
